<compile_context>
chip_gen: v7x
topology: tpu7x:2x2x1
jax: 0.10.2.dev20260603
libtpu: 0.0.44.dev20260713+nightly
codegen_flags: <defaults>
</compile_context>

<pallas_src>
import functools

import jax
import jax.numpy as jnp
from jax import lax
from jax.experimental import pallas as pl
from jax.experimental.pallas import tpu as pltpu
from jax.experimental.pallas import tpu_sc as plsc

_VOCAB = 1000000
_EMBED = 64
_BATCH = 16384
_HIST = 50
_NTOT = _BATCH * _HIST
_NHALF = _NTOT // 2
_NW = 32
_RPW = _NHALF // _NW
_GW = 128
_C = 512
_KG = _C // _GW
_NCH = _RPW // _C
_IDXROWS = _RPW // _GW
_STAGE = _IDXROWS + 4


def _sc_gather(idx_hbm, table_hbm, out_hbm, idx_v, rows_a, rows_b, gsem_a,
               gsem_b, osem_a, osem_b):
    wid = lax.axis_index("s") * 2 + lax.axis_index("c")
    base = wid * _RPW

    skew = (wid % 2) * 4
    a0 = pl.multiple_of(wid * _IDXROWS - skew, 8)
    pltpu.sync_copy(idx_hbm.at[pl.ds(a0, _STAGE)], idx_v)

    def fire_gathers(g, rows_v, sem):
        gm = lax.rem(g, _NCH)
        return [
            pltpu.async_copy(
                table_hbm.at[idx_v.at[skew + gm * _KG + j]],
                rows_v.at[pl.ds(j * _GW, _GW)],
                sem,
            )
            for j in range(_KG)
        ]

    def drain_gathers(rows_v, sem):
        for j in range(_KG):
            pltpu.make_async_copy(
                table_hbm.at[idx_v.at[j]],
                rows_v.at[pl.ds(j * _GW, _GW)],
                sem,
            ).wait()

    def store(g, rows_v, sem):
        return pltpu.async_copy(
            rows_v, out_hbm.at[pl.ds(pl.multiple_of(base + g * _C, _C), _C)],
            sem)

    def wait_store(g, rows_v, sem):
        pltpu.make_async_copy(
            rows_v, out_hbm.at[pl.ds(pl.multiple_of(base + g * _C, _C), _C)],
            sem).wait()

    fire_gathers(0, rows_a, gsem_a)
    drain_gathers(rows_a, gsem_a)
    fire_gathers(1, rows_b, gsem_b)
    store(0, rows_a, osem_a)

    def body(p, carry):
        g = 2 * p + 1
        drain_gathers(rows_b, gsem_b)
        wait_store(g - 1, rows_a, osem_a)
        fire_gathers(g + 1, rows_a, gsem_a)
        store(g, rows_b, osem_b)
        drain_gathers(rows_a, gsem_a)
        wait_store(g, rows_b, osem_b)
        fire_gathers(g + 2, rows_b, gsem_b)
        store(g + 1, rows_a, osem_a)
        return carry

    lax.fori_loop(0, (_NCH - 1) // 2, body, 0)

    drain_gathers(rows_b, gsem_b)
    wait_store(_NCH - 1, rows_a, osem_a)


_mesh = plsc.VectorSubcoreMesh(core_axis_name="c", subcore_axis_name="s")

_gather_call = functools.partial(
    pl.kernel,
    out_type=jax.ShapeDtypeStruct((_NHALF, _EMBED), jnp.float32),
    mesh=_mesh,
    compiler_params=pltpu.CompilerParams(use_tc_tiling_on_sc=False),
    scratch_types=[
        pltpu.VMEM((_STAGE, _GW), jnp.int32),
        pltpu.VMEM((_C, _EMBED), jnp.float32),
        pltpu.VMEM((_C, _EMBED), jnp.float32),
        pltpu.SemaphoreType.DMA,
        pltpu.SemaphoreType.DMA,
        pltpu.SemaphoreType.DMA,
        pltpu.SemaphoreType.DMA,
    ],
)(_sc_gather)


@jax.jit
def kernel(input, weight):
    idx = input.reshape(_NTOT // _GW, _GW).astype(jnp.int32)
    nh = _NHALF // _GW
    r1 = _gather_call(idx[:nh], weight)
    r2 = _gather_call(idx[nh:], weight)
    half = _BATCH // 2
    return jnp.concatenate(
        [r1.reshape(half, _HIST, _EMBED), r2.reshape(half, _HIST, _EMBED)],
        axis=0)

# --- scband reference (transcript-rebuilt; emitter-appended) ---
"""Pipeline reference for scband-custom-embedding-39977555591624 (READ-ONLY COPY).

The authoritative reference and input builder live on the scoring server;
editing this copy changes nothing except your own understanding.
"""

import jax, jax.numpy as jnp
import numpy as np

VOCAB = 1000000
EMBED_DIM = 64
BATCH = 16384
HIST = 50

def setup_inputs(seed: int = 0) -> dict:
    key = jax.random.key(seed)
    k_idx, k_w = jax.random.split(key)
    indices = jax.random.randint(k_idx, (BATCH, HIST), 0, VOCAB, dtype=jnp.int64 if jax.config.jax_enable_x64 else jnp.int32)
    weight = jax.random.normal(k_w, (VOCAB, EMBED_DIM), dtype=jnp.float32)
    return {"input": indices, "weight": weight}

def reference(input, weight):
    # Faithful translation of CustomEmbedding.forward: a plain embedding lookup.
    # (grad_hook only affects the backward pass, not the forward.)
    return jnp.take(weight, input, axis=0)

if __name__ == "__main__":
    import jax
    _d = setup_inputs()
    print(jax.jit(kernel)(*tuple(_d.values())))

</pallas_src>

<mosaic_0001>
#map = affine_map<(d0, d1) -> (0, 0)>
module attributes {stable_mosaic.version = 14 : i64} {
  func.func @_sc_gather(%arg0: i32, %arg1: i32, %arg2: memref<3200x128xi32, #tpu.memory_space<hbm>>, %arg3: memref<1000000x64xf32, #tpu.memory_space<hbm>>, %arg4: memref<409600x64xf32, #tpu.memory_space<hbm>>, %arg5: memref<104x128xi32, #tpu.memory_space<vmem>>, %arg6: memref<512x64xf32, #tpu.memory_space<vmem>>, %arg7: memref<512x64xf32, #tpu.memory_space<vmem>>, %arg8: memref<!tpu.dma_semaphore, #tpu.memory_space<semaphore_mem>>, %arg9: memref<!tpu.dma_semaphore, #tpu.memory_space<semaphore_mem>>, %arg10: memref<!tpu.dma_semaphore, #tpu.memory_space<semaphore_mem>>, %arg11: memref<!tpu.dma_semaphore, #tpu.memory_space<semaphore_mem>>) attributes {dimension_semantics = [#tpu.dimension_semantics<core_parallel>, #tpu.dimension_semantics<subcore_parallel>], iteration_bounds = array<i64: 2, 16>, scalar_prefetch = 0 : i64, scratch_operands = 7 : i64, tpu.core_type = #tpu.core_type<sc_vector_subcore>, window_params = [{transform_indices = #map}, {transform_indices = #map}, {transform_indices = #map}]} {
    %mul3A = arith.constant 2 : i32
    %mul3A_0 = arith.muli %arg1, %mul3A : i32
    %add3A = arith.addi %mul3A_0, %arg0 : i32
    %mul3A_1 = arith.constant 12800 : i32
    %mul3A_2 = arith.muli %add3A, %mul3A_1 : i32
    %jit3A = arith.constant 2 : i32
    %eq3A = arith.constant 0 : i32
    %eq3A_3 = arith.cmpi eq, %jit3A, %eq3A : i32
    %jit3A_4 = arith.constant 1 : i32
    %select_n3A = arith.select %eq3A_3, %jit3A_4, %jit3A : i32
    %rem3A = arith.remsi %add3A, %select_n3A : i32
    %ne3A = arith.constant 0 : i32
    %ne3A_5 = arith.cmpi ne, %rem3A, %ne3A : i32
    %lt3A = arith.constant 0 : i32
    %lt3A_6 = arith.cmpi slt, %rem3A, %lt3A : i32
    %lt3A_7 = arith.constant 0 : i32
    %lt3A_8 = arith.cmpi slt, %select_n3A, %lt3A_7 : i32
    %ne3A_9 = arith.xori %lt3A_6, %lt3A_8 : i1
    %and3A = arith.andi %ne3A_9, %ne3A_5 : i1
    %add3A_10 = arith.addi %rem3A, %select_n3A : i32
    %select_n3A_11 = arith.select %and3A, %add3A_10, %rem3A : i32
    %mul3A_12 = arith.constant 4 : i32
    %mul3A_13 = arith.muli %select_n3A_11, %mul3A_12 : i32
    %mul3A_14 = arith.constant 100 : i32
    %mul3A_15 = arith.muli %add3A, %mul3A_14 : i32
    %sub3A = arith.subi %mul3A_15, %mul3A_13 : i32
    %multiple_of3A = tpu.assume_multiple %sub3A, 8 : i32
    "tpu.region"() ({
      %run_scoped3A = tpu.sem_alloc : memref<!tpu.dma_semaphore, #tpu.memory_space<semaphore_mem>>
      %dma_start3A_231 = arith.constant 0 : i32
      %dma_start3A_232 = tpu.memref_slice %arg2[%multiple_of3A, %dma_start3A_231] : memref<3200x128xi32, #tpu.memory_space<hbm>> -> memref<104x128xi32, #tpu.memory_space<hbm>>
      %dma_start3A_233 = arith.constant 0 : i32
      %dma_start3A_234 = tpu.memref_slice %arg2[%multiple_of3A, %dma_start3A_233] : memref<3200x128xi32, #tpu.memory_space<hbm>> -> memref<104x128xi32, #tpu.memory_space<hbm>>
      tpu.enqueue_dma source(%dma_start3A_234 : memref<104x128xi32, #tpu.memory_space<hbm>>) target(%arg5 : memref<104x128xi32, #tpu.memory_space<vmem>>) target_semaphore(%run_scoped3A : memref<!tpu.dma_semaphore, #tpu.memory_space<semaphore_mem>>)
      %dma_wait3A_235 = arith.constant 0 : i32
      %dma_wait3A_236 = tpu.memref_slice %arg2[%multiple_of3A, %dma_wait3A_235] : memref<3200x128xi32, #tpu.memory_space<hbm>> -> memref<104x128xi32, #tpu.memory_space<hbm>>
      %dma_wait3A_237 = arith.constant 0 : i32
      %dma_wait3A_238 = tpu.memref_slice %arg2[%multiple_of3A, %dma_wait3A_237] : memref<3200x128xi32, #tpu.memory_space<hbm>> -> memref<104x128xi32, #tpu.memory_space<hbm>>
      tpu.wait_dma2 semaphore(%run_scoped3A : memref<!tpu.dma_semaphore, #tpu.memory_space<semaphore_mem>>) src(%dma_wait3A_238 : memref<104x128xi32, #tpu.memory_space<hbm>>) dst(%arg5 : memref<104x128xi32, #tpu.memory_space<vmem>>)
      tpu.yield
    }) : () -> ()
    %rem3A_16 = arith.constant 0 : i32
    %rem3A_17 = arith.constant 25 : i32
    %rem3A_18 = arith.remsi %rem3A_16, %rem3A_17 : i32
    %mul3A_19 = arith.constant 4 : i32
    %mul3A_20 = arith.muli %rem3A_18, %mul3A_19 : i32
    %add3A_21 = arith.addi %mul3A_13, %mul3A_20 : i32
    %add3A_22 = arith.constant 0 : i32
    %add3A_23 = arith.addi %add3A_21, %add3A_22 : i32
    %dma_start3A = arith.constant 0 : i32
    %dma_start3A_24 = arith.constant 0 : i32
    %dma_start3A_25 = tpu.memref_slice %arg6[%dma_start3A, %dma_start3A_24] : memref<512x64xf32, #tpu.memory_space<vmem>> -> memref<128x64xf32, #tpu.memory_space<vmem>>
    %dma_start3A_26 = arith.constant 0 : i32
    %dma_start3A_27 = tpu.memref_slice %arg5[%add3A_23, %dma_start3A_26] : memref<104x128xi32, #tpu.memory_space<vmem>> -> memref<1x128xi32, #tpu.memory_space<vmem>>
    %dma_start3A_28 = tpu.memref_squeeze %dma_start3A_27 : memref<1x128xi32, #tpu.memory_space<vmem>> -> memref<128xi32, #tpu.memory_space<vmem>>
    %dma_start3A_29 = arith.constant 0 : i32
    %dma_start3A_30 = arith.constant 0 : i32
    %dma_start3A_31 = tpu.memref_slice %arg3[%dma_start3A_29, %dma_start3A_30] : memref<1000000x64xf32, #tpu.memory_space<hbm>> -> memref<1000000x64xf32, #tpu.memory_space<hbm>>
    tpu.enqueue_indirect_dma source(%dma_start3A_31 : memref<1000000x64xf32, #tpu.memory_space<hbm>>) target(%dma_start3A_25 : memref<128x64xf32, #tpu.memory_space<vmem>>) offsets(%dma_start3A_28 : memref<128xi32, #tpu.memory_space<vmem>>) semaphore(%arg8 : memref<!tpu.dma_semaphore, #tpu.memory_space<semaphore_mem>>)
    %mul3A_32 = arith.constant 4 : i32
    %mul3A_33 = arith.muli %rem3A_18, %mul3A_32 : i32
    %add3A_34 = arith.addi %mul3A_13, %mul3A_33 : i32
    %add3A_35 = arith.constant 1 : i32
    %add3A_36 = arith.addi %add3A_34, %add3A_35 : i32
    %dma_start3A_37 = arith.constant 128 : i32
    %dma_start3A_38 = arith.constant 0 : i32
    %dma_start3A_39 = tpu.memref_slice %arg6[%dma_start3A_37, %dma_start3A_38] : memref<512x64xf32, #tpu.memory_space<vmem>> -> memref<128x64xf32, #tpu.memory_space<vmem>>
    %dma_start3A_40 = arith.constant 0 : i32
    %dma_start3A_41 = tpu.memref_slice %arg5[%add3A_36, %dma_start3A_40] : memref<104x128xi32, #tpu.memory_space<vmem>> -> memref<1x128xi32, #tpu.memory_space<vmem>>
    %dma_start3A_42 = tpu.memref_squeeze %dma_start3A_41 : memref<1x128xi32, #tpu.memory_space<vmem>> -> memref<128xi32, #tpu.memory_space<vmem>>
    %dma_start3A_43 = arith.constant 0 : i32
    %dma_start3A_44 = arith.constant 0 : i32
    %dma_start3A_45 = tpu.memref_slice %arg3[%dma_start3A_43, %dma_start3A_44] : memref<1000000x64xf32, #tpu.memory_space<hbm>> -> memref<1000000x64xf32, #tpu.memory_space<hbm>>
    tpu.enqueue_indirect_dma source(%dma_start3A_45 : memref<1000000x64xf32, #tpu.memory_space<hbm>>) target(%dma_start3A_39 : memref<128x64xf32, #tpu.memory_space<vmem>>) offsets(%dma_start3A_42 : memref<128xi32, #tpu.memory_space<vmem>>) semaphore(%arg8 : memref<!tpu.dma_semaphore, #tpu.memory_space<semaphore_mem>>)
    %mul3A_46 = arith.constant 4 : i32
    %mul3A_47 = arith.muli %rem3A_18, %mul3A_46 : i32
    %add3A_48 = arith.addi %mul3A_13, %mul3A_47 : i32
    %add3A_49 = arith.constant 2 : i32
    %add3A_50 = arith.addi %add3A_48, %add3A_49 : i32
    %dma_start3A_51 = arith.constant 256 : i32
    %dma_start3A_52 = arith.constant 0 : i32
    %dma_start3A_53 = tpu.memref_slice %arg6[%dma_start3A_51, %dma_start3A_52] : memref<512x64xf32, #tpu.memory_space<vmem>> -> memref<128x64xf32, #tpu.memory_space<vmem>>
    %dma_start3A_54 = arith.constant 0 : i32
    %dma_start3A_55 = tpu.memref_slice %arg5[%add3A_50, %dma_start3A_54] : memref<104x128xi32, #tpu.memory_space<vmem>> -> memref<1x128xi32, #tpu.memory_space<vmem>>
    %dma_start3A_56 = tpu.memref_squeeze %dma_start3A_55 : memref<1x128xi32, #tpu.memory_space<vmem>> -> memref<128xi32, #tpu.memory_space<vmem>>
    %dma_start3A_57 = arith.constant 0 : i32
    %dma_start3A_58 = arith.constant 0 : i32
    %dma_start3A_59 = tpu.memref_slice %arg3[%dma_start3A_57, %dma_start3A_58] : memref<1000000x64xf32, #tpu.memory_space<hbm>> -> memref<1000000x64xf32, #tpu.memory_space<hbm>>
    tpu.enqueue_indirect_dma source(%dma_start3A_59 : memref<1000000x64xf32, #tpu.memory_space<hbm>>) target(%dma_start3A_53 : memref<128x64xf32, #tpu.memory_space<vmem>>) offsets(%dma_start3A_56 : memref<128xi32, #tpu.memory_space<vmem>>) semaphore(%arg8 : memref<!tpu.dma_semaphore, #tpu.memory_space<semaphore_mem>>)
    %mul3A_60 = arith.constant 4 : i32
    %mul3A_61 = arith.muli %rem3A_18, %mul3A_60 : i32
    %add3A_62 = arith.addi %mul3A_13, %mul3A_61 : i32
    %add3A_63 = arith.constant 3 : i32
    %add3A_64 = arith.addi %add3A_62, %add3A_63 : i32
    %dma_start3A_65 = arith.constant 384 : i32
    %dma_start3A_66 = arith.constant 0 : i32
    %dma_start3A_67 = tpu.memref_slice %arg6[%dma_start3A_65, %dma_start3A_66] : memref<512x64xf32, #tpu.memory_space<vmem>> -> memref<128x64xf32, #tpu.memory_space<vmem>>
    %dma_start3A_68 = arith.constant 0 : i32
    %dma_start3A_69 = tpu.memref_slice %arg5[%add3A_64, %dma_start3A_68] : memref<104x128xi32, #tpu.memory_space<vmem>> -> memref<1x128xi32, #tpu.memory_space<vmem>>
    %dma_start3A_70 = tpu.memref_squeeze %dma_start3A_69 : memref<1x128xi32, #tpu.memory_space<vmem>> -> memref<128xi32, #tpu.memory_space<vmem>>
    %dma_start3A_71 = arith.constant 0 : i32
    %dma_start3A_72 = arith.constant 0 : i32
    %dma_start3A_73 = tpu.memref_slice %arg3[%dma_start3A_71, %dma_start3A_72] : memref<1000000x64xf32, #tpu.memory_space<hbm>> -> memref<1000000x64xf32, #tpu.memory_space<hbm>>
    tpu.enqueue_indirect_dma source(%dma_start3A_73 : memref<1000000x64xf32, #tpu.memory_space<hbm>>) target(%dma_start3A_67 : memref<128x64xf32, #tpu.memory_space<vmem>>) offsets(%dma_start3A_70 : memref<128xi32, #tpu.memory_space<vmem>>) semaphore(%arg8 : memref<!tpu.dma_semaphore, #tpu.memory_space<semaphore_mem>>)
    %dma_wait3A = arith.constant 0 : i32
    %dma_wait3A_74 = arith.constant 0 : i32
    %dma_wait3A_75 = arith.constant 0 : i32
    %dma_wait3A_76 = tpu.memref_slice %arg6[%dma_wait3A_74, %dma_wait3A_75] : memref<512x64xf32, #tpu.memory_space<vmem>> -> memref<128x64xf32, #tpu.memory_space<vmem>>
    %dma_wait3A_77 = arith.constant 0 : i32
    %dma_wait3A_78 = tpu.memref_slice %arg5[%dma_wait3A, %dma_wait3A_77] : memref<104x128xi32, #tpu.memory_space<vmem>> -> memref<1x128xi32, #tpu.memory_space<vmem>>
    %dma_wait3A_79 = tpu.memref_squeeze %dma_wait3A_78 : memref<1x128xi32, #tpu.memory_space<vmem>> -> memref<128xi32, #tpu.memory_space<vmem>>
    %dma_wait3A_80 = arith.constant 0 : i32
    %dma_wait3A_81 = arith.constant 0 : i32
    %dma_wait3A_82 = tpu.memref_slice %arg3[%dma_wait3A_80, %dma_wait3A_81] : memref<1000000x64xf32, #tpu.memory_space<hbm>> -> memref<1000000x64xf32, #tpu.memory_space<hbm>>
    tpu.wait_indirect_dma semaphore(%arg8 : memref<!tpu.dma_semaphore, #tpu.memory_space<semaphore_mem>>) src(%dma_wait3A_82 : memref<1000000x64xf32, #tpu.memory_space<hbm>>) dst(%dma_wait3A_76 : memref<128x64xf32, #tpu.memory_space<vmem>>)
    %dma_wait3A_83 = arith.constant 1 : i32
    %dma_wait3A_84 = arith.constant 128 : i32
    %dma_wait3A_85 = arith.constant 0 : i32
    %dma_wait3A_86 = tpu.memref_slice %arg6[%dma_wait3A_84, %dma_wait3A_85] : memref<512x64xf32, #tpu.memory_space<vmem>> -> memref<128x64xf32, #tpu.memory_space<vmem>>
    %dma_wait3A_87 = arith.constant 0 : i32
    %dma_wait3A_88 = tpu.memref_slice %arg5[%dma_wait3A_83, %dma_wait3A_87] : memref<104x128xi32, #tpu.memory_space<vmem>> -> memref<1x128xi32, #tpu.memory_space<vmem>>
    %dma_wait3A_89 = tpu.memref_squeeze %dma_wait3A_88 : memref<1x128xi32, #tpu.memory_space<vmem>> -> memref<128xi32, #tpu.memory_space<vmem>>
    %dma_wait3A_90 = arith.constant 0 : i32
    %dma_wait3A_91 = arith.constant 0 : i32
    %dma_wait3A_92 = tpu.memref_slice %arg3[%dma_wait3A_90, %dma_wait3A_91] : memref<1000000x64xf32, #tpu.memory_space<hbm>> -> memref<1000000x64xf32, #tpu.memory_space<hbm>>
    tpu.wait_indirect_dma semaphore(%arg8 : memref<!tpu.dma_semaphore, #tpu.memory_space<semaphore_mem>>) src(%dma_wait3A_92 : memref<1000000x64xf32, #tpu.memory_space<hbm>>) dst(%dma_wait3A_86 : memref<128x64xf32, #tpu.memory_space<vmem>>)
    %dma_wait3A_93 = arith.constant 2 : i32
    %dma_wait3A_94 = arith.constant 256 : i32
    %dma_wait3A_95 = arith.constant 0 : i32
    %dma_wait3A_96 = tpu.memref_slice %arg6[%dma_wait3A_94, %dma_wait3A_95] : memref<512x64xf32, #tpu.memory_space<vmem>> -> memref<128x64xf32, #tpu.memory_space<vmem>>
    %dma_wait3A_97 = arith.constant 0 : i32
    %dma_wait3A_98 = tpu.memref_slice %arg5[%dma_wait3A_93, %dma_wait3A_97] : memref<104x128xi32, #tpu.memory_space<vmem>> -> memref<1x128xi32, #tpu.memory_space<vmem>>
    %dma_wait3A_99 = tpu.memref_squeeze %dma_wait3A_98 : memref<1x128xi32, #tpu.memory_space<vmem>> -> memref<128xi32, #tpu.memory_space<vmem>>
    %dma_wait3A_100 = arith.constant 0 : i32
    %dma_wait3A_101 = arith.constant 0 : i32
    %dma_wait3A_102 = tpu.memref_slice %arg3[%dma_wait3A_100, %dma_wait3A_101] : memref<1000000x64xf32, #tpu.memory_space<hbm>> -> memref<1000000x64xf32, #tpu.memory_space<hbm>>
    tpu.wait_indirect_dma semaphore(%arg8 : memref<!tpu.dma_semaphore, #tpu.memory_space<semaphore_mem>>) src(%dma_wait3A_102 : memref<1000000x64xf32, #tpu.memory_space<hbm>>) dst(%dma_wait3A_96 : memref<128x64xf32, #tpu.memory_space<vmem>>)
    %dma_wait3A_103 = arith.constant 3 : i32
    %dma_wait3A_104 = arith.constant 384 : i32
    %dma_wait3A_105 = arith.constant 0 : i32
    %dma_wait3A_106 = tpu.memref_slice %arg6[%dma_wait3A_104, %dma_wait3A_105] : memref<512x64xf32, #tpu.memory_space<vmem>> -> memref<128x64xf32, #tpu.memory_space<vmem>>
    %dma_wait3A_107 = arith.constant 0 : i32
    %dma_wait3A_108 = tpu.memref_slice %arg5[%dma_wait3A_103, %dma_wait3A_107] : memref<104x128xi32, #tpu.memory_space<vmem>> -> memref<1x128xi32, #tpu.memory_space<vmem>>
    %dma_wait3A_109 = tpu.memref_squeeze %dma_wait3A_108 : memref<1x128xi32, #tpu.memory_space<vmem>> -> memref<128xi32, #tpu.memory_space<vmem>>
    %dma_wait3A_110 = arith.constant 0 : i32
    %dma_wait3A_111 = arith.constant 0 : i32
    %dma_wait3A_112 = tpu.memref_slice %arg3[%dma_wait3A_110, %dma_wait3A_111] : memref<1000000x64xf32, #tpu.memory_space<hbm>> -> memref<1000000x64xf32, #tpu.memory_space<hbm>>
    tpu.wait_indirect_dma semaphore(%arg8 : memref<!tpu.dma_semaphore, #tpu.memory_space<semaphore_mem>>) src(%dma_wait3A_112 : memref<1000000x64xf32, #tpu.memory_space<hbm>>) dst(%dma_wait3A_106 : memref<128x64xf32, #tpu.memory_space<vmem>>)
    %rem3A_113 = arith.constant 1 : i32
    %rem3A_114 = arith.constant 25 : i32
    %rem3A_115 = arith.remsi %rem3A_113, %rem3A_114 : i32
    %mul3A_116 = arith.constant 4 : i32
    %mul3A_117 = arith.muli %rem3A_115, %mul3A_116 : i32
    %add3A_118 = arith.addi %mul3A_13, %mul3A_117 : i32
    %add3A_119 = arith.constant 0 : i32
    %add3A_120 = arith.addi %add3A_118, %add3A_119 : i32
    %dma_start3A_121 = arith.constant 0 : i32
    %dma_start3A_122 = arith.constant 0 : i32
    %dma_start3A_123 = tpu.memref_slice %arg7[%dma_start3A_121, %dma_start3A_122] : memref<512x64xf32, #tpu.memory_space<vmem>> -> memref<128x64xf32, #tpu.memory_space<vmem>>
    %dma_start3A_124 = arith.constant 0 : i32
    %dma_start3A_125 = tpu.memref_slice %arg5[%add3A_120, %dma_start3A_124] : memref<104x128xi32, #tpu.memory_space<vmem>> -> memref<1x128xi32, #tpu.memory_space<vmem>>
    %dma_start3A_126 = tpu.memref_squeeze %dma_start3A_125 : memref<1x128xi32, #tpu.memory_space<vmem>> -> memref<128xi32, #tpu.memory_space<vmem>>
    %dma_start3A_127 = arith.constant 0 : i32
    %dma_start3A_128 = arith.constant 0 : i32
    %dma_start3A_129 = tpu.memref_slice %arg3[%dma_start3A_127, %dma_start3A_128] : memref<1000000x64xf32, #tpu.memory_space<hbm>> -> memref<1000000x64xf32, #tpu.memory_space<hbm>>
    tpu.enqueue_indirect_dma source(%dma_start3A_129 : memref<1000000x64xf32, #tpu.memory_space<hbm>>) target(%dma_start3A_123 : memref<128x64xf32, #tpu.memory_space<vmem>>) offsets(%dma_start3A_126 : memref<128xi32, #tpu.memory_space<vmem>>) semaphore(%arg9 : memref<!tpu.dma_semaphore, #tpu.memory_space<semaphore_mem>>)
    %mul3A_130 = arith.constant 4 : i32
    %mul3A_131 = arith.muli %rem3A_115, %mul3A_130 : i32
    %add3A_132 = arith.addi %mul3A_13, %mul3A_131 : i32
    %add3A_133 = arith.constant 1 : i32
    %add3A_134 = arith.addi %add3A_132, %add3A_133 : i32
    %dma_start3A_135 = arith.constant 128 : i32
    %dma_start3A_136 = arith.constant 0 : i32
    %dma_start3A_137 = tpu.memref_slice %arg7[%dma_start3A_135, %dma_start3A_136] : memref<512x64xf32, #tpu.memory_space<vmem>> -> memref<128x64xf32, #tpu.memory_space<vmem>>
    %dma_start3A_138 = arith.constant 0 : i32
    %dma_start3A_139 = tpu.memref_slice %arg5[%add3A_134, %dma_start3A_138] : memref<104x128xi32, #tpu.memory_space<vmem>> -> memref<1x128xi32, #tpu.memory_space<vmem>>
    %dma_start3A_140 = tpu.memref_squeeze %dma_start3A_139 : memref<1x128xi32, #tpu.memory_space<vmem>> -> memref<128xi32, #tpu.memory_space<vmem>>
    %dma_start3A_141 = arith.constant 0 : i32
    %dma_start3A_142 = arith.constant 0 : i32
    %dma_start3A_143 = tpu.memref_slice %arg3[%dma_start3A_141, %dma_start3A_142] : memref<1000000x64xf32, #tpu.memory_space<hbm>> -> memref<1000000x64xf32, #tpu.memory_space<hbm>>
    tpu.enqueue_indirect_dma source(%dma_start3A_143 : memref<1000000x64xf32, #tpu.memory_space<hbm>>) target(%dma_start3A_137 : memref<128x64xf32, #tpu.memory_space<vmem>>) offsets(%dma_start3A_140 : memref<128xi32, #tpu.memory_space<vmem>>) semaphore(%arg9 : memref<!tpu.dma_semaphore, #tpu.memory_space<semaphore_mem>>)
    %mul3A_144 = arith.constant 4 : i32
    %mul3A_145 = arith.muli %rem3A_115, %mul3A_144 : i32
    %add3A_146 = arith.addi %mul3A_13, %mul3A_145 : i32
    %add3A_147 = arith.constant 2 : i32
    %add3A_148 = arith.addi %add3A_146, %add3A_147 : i32
    %dma_start3A_149 = arith.constant 256 : i32
    %dma_start3A_150 = arith.constant 0 : i32
    %dma_start3A_151 = tpu.memref_slice %arg7[%dma_start3A_149, %dma_start3A_150] : memref<512x64xf32, #tpu.memory_space<vmem>> -> memref<128x64xf32, #tpu.memory_space<vmem>>
    %dma_start3A_152 = arith.constant 0 : i32
    %dma_start3A_153 = tpu.memref_slice %arg5[%add3A_148, %dma_start3A_152] : memref<104x128xi32, #tpu.memory_space<vmem>> -> memref<1x128xi32, #tpu.memory_space<vmem>>
    %dma_start3A_154 = tpu.memref_squeeze %dma_start3A_153 : memref<1x128xi32, #tpu.memory_space<vmem>> -> memref<128xi32, #tpu.memory_space<vmem>>
    %dma_start3A_155 = arith.constant 0 : i32
    %dma_start3A_156 = arith.constant 0 : i32
    %dma_start3A_157 = tpu.memref_slice %arg3[%dma_start3A_155, %dma_start3A_156] : memref<1000000x64xf32, #tpu.memory_space<hbm>> -> memref<1000000x64xf32, #tpu.memory_space<hbm>>
    tpu.enqueue_indirect_dma source(%dma_start3A_157 : memref<1000000x64xf32, #tpu.memory_space<hbm>>) target(%dma_start3A_151 : memref<128x64xf32, #tpu.memory_space<vmem>>) offsets(%dma_start3A_154 : memref<128xi32, #tpu.memory_space<vmem>>) semaphore(%arg9 : memref<!tpu.dma_semaphore, #tpu.memory_space<semaphore_mem>>)
    %mul3A_158 = arith.constant 4 : i32
    %mul3A_159 = arith.muli %rem3A_115, %mul3A_158 : i32
    %add3A_160 = arith.addi %mul3A_13, %mul3A_159 : i32
    %add3A_161 = arith.constant 3 : i32
    %add3A_162 = arith.addi %add3A_160, %add3A_161 : i32
    %dma_start3A_163 = arith.constant 384 : i32
    %dma_start3A_164 = arith.constant 0 : i32
    %dma_start3A_165 = tpu.memref_slice %arg7[%dma_start3A_163, %dma_start3A_164] : memref<512x64xf32, #tpu.memory_space<vmem>> -> memref<128x64xf32, #tpu.memory_space<vmem>>
    %dma_start3A_166 = arith.constant 0 : i32
    %dma_start3A_167 = tpu.memref_slice %arg5[%add3A_162, %dma_start3A_166] : memref<104x128xi32, #tpu.memory_space<vmem>> -> memref<1x128xi32, #tpu.memory_space<vmem>>
    %dma_start3A_168 = tpu.memref_squeeze %dma_start3A_167 : memref<1x128xi32, #tpu.memory_space<vmem>> -> memref<128xi32, #tpu.memory_space<vmem>>
    %dma_start3A_169 = arith.constant 0 : i32
    %dma_start3A_170 = arith.constant 0 : i32
    %dma_start3A_171 = tpu.memref_slice %arg3[%dma_start3A_169, %dma_start3A_170] : memref<1000000x64xf32, #tpu.memory_space<hbm>> -> memref<1000000x64xf32, #tpu.memory_space<hbm>>
    tpu.enqueue_indirect_dma source(%dma_start3A_171 : memref<1000000x64xf32, #tpu.memory_space<hbm>>) target(%dma_start3A_165 : memref<128x64xf32, #tpu.memory_space<vmem>>) offsets(%dma_start3A_168 : memref<128xi32, #tpu.memory_space<vmem>>) semaphore(%arg9 : memref<!tpu.dma_semaphore, #tpu.memory_space<semaphore_mem>>)
    %add3A_172 = arith.constant 0 : i32
    %add3A_173 = arith.addi %mul3A_2, %add3A_172 : i32
    %multiple_of3A_174 = tpu.assume_multiple %add3A_173, 512 : i32
    %dma_start3A_175 = arith.constant 0 : i32
    %dma_start3A_176 = tpu.memref_slice %arg4[%multiple_of3A_174, %dma_start3A_175] : memref<409600x64xf32, #tpu.memory_space<hbm>> -> memref<512x64xf32, #tpu.memory_space<hbm>>
    %dma_start3A_177 = arith.constant 0 : i32
    %dma_start3A_178 = tpu.memref_slice %arg4[%multiple_of3A_174, %dma_start3A_177] : memref<409600x64xf32, #tpu.memory_space<hbm>> -> memref<512x64xf32, #tpu.memory_space<hbm>>
    tpu.enqueue_dma source(%arg6 : memref<512x64xf32, #tpu.memory_space<vmem>>) target(%dma_start3A_178 : memref<512x64xf32, #tpu.memory_space<hbm>>) target_semaphore(%arg10 : memref<!tpu.dma_semaphore, #tpu.memory_space<semaphore_mem>>)
    %scan3A = arith.constant 0 : i32
    %scan3A_179 = arith.constant 0 : i32
    %scan3A_180 = arith.constant 12 : i32
    %scan3A_181 = arith.addi %scan3A_179, %scan3A_180 : i32
    %scan3A_182 = arith.constant 1 : i32
    scf.for %scan3A_231 = %scan3A_179 to %scan3A_181 step %scan3A_182  : i32 {
      %mul3A_232 = arith.constant 2 : i32
      %mul3A_233 = arith.muli %mul3A_232, %scan3A_231 : i32
      %add3A_234 = arith.constant 1 : i32
      %add3A_235 = arith.addi %mul3A_233, %add3A_234 : i32
      %dma_wait3A_236 = arith.constant 0 : i32
      %dma_wait3A_237 = arith.constant 0 : i32
      %dma_wait3A_238 = arith.constant 0 : i32
      %dma_wait3A_239 = tpu.memref_slice %arg7[%dma_wait3A_237, %dma_wait3A_238] : memref<512x64xf32, #tpu.memory_space<vmem>> -> memref<128x64xf32, #tpu.memory_space<vmem>>
      %dma_wait3A_240 = arith.constant 0 : i32
      %dma_wait3A_241 = tpu.memref_slice %arg5[%dma_wait3A_236, %dma_wait3A_240] : memref<104x128xi32, #tpu.memory_space<vmem>> -> memref<1x128xi32, #tpu.memory_space<vmem>>
      %dma_wait3A_242 = tpu.memref_squeeze %dma_wait3A_241 : memref<1x128xi32, #tpu.memory_space<vmem>> -> memref<128xi32, #tpu.memory_space<vmem>>
      %dma_wait3A_243 = arith.constant 0 : i32
      %dma_wait3A_244 = arith.constant 0 : i32
      %dma_wait3A_245 = tpu.memref_slice %arg3[%dma_wait3A_243, %dma_wait3A_244] : memref<1000000x64xf32, #tpu.memory_space<hbm>> -> memref<1000000x64xf32, #tpu.memory_space<hbm>>
      tpu.wait_indirect_dma semaphore(%arg9 : memref<!tpu.dma_semaphore, #tpu.memory_space<semaphore_mem>>) src(%dma_wait3A_245 : memref<1000000x64xf32, #tpu.memory_space<hbm>>) dst(%dma_wait3A_239 : memref<128x64xf32, #tpu.memory_space<vmem>>)
      %dma_wait3A_246 = arith.constant 1 : i32
      %dma_wait3A_247 = arith.constant 128 : i32
      %dma_wait3A_248 = arith.constant 0 : i32
      %dma_wait3A_249 = tpu.memref_slice %arg7[%dma_wait3A_247, %dma_wait3A_248] : memref<512x64xf32, #tpu.memory_space<vmem>> -> memref<128x64xf32, #tpu.memory_space<vmem>>
      %dma_wait3A_250 = arith.constant 0 : i32
      %dma_wait3A_251 = tpu.memref_slice %arg5[%dma_wait3A_246, %dma_wait3A_250] : memref<104x128xi32, #tpu.memory_space<vmem>> -> memref<1x128xi32, #tpu.memory_space<vmem>>
      %dma_wait3A_252 = tpu.memref_squeeze %dma_wait3A_251 : memref<1x128xi32, #tpu.memory_space<vmem>> -> memref<128xi32, #tpu.memory_space<vmem>>
      %dma_wait3A_253 = arith.constant 0 : i32
      %dma_wait3A_254 = arith.constant 0 : i32
      %dma_wait3A_255 = tpu.memref_slice %arg3[%dma_wait3A_253, %dma_wait3A_254] : memref<1000000x64xf32, #tpu.memory_space<hbm>> -> memref<1000000x64xf32, #tpu.memory_space<hbm>>
      tpu.wait_indirect_dma semaphore(%arg9 : memref<!tpu.dma_semaphore, #tpu.memory_space<semaphore_mem>>) src(%dma_wait3A_255 : memref<1000000x64xf32, #tpu.memory_space<hbm>>) dst(%dma_wait3A_249 : memref<128x64xf32, #tpu.memory_space<vmem>>)
      %dma_wait3A_256 = arith.constant 2 : i32
      %dma_wait3A_257 = arith.constant 256 : i32
      %dma_wait3A_258 = arith.constant 0 : i32
      %dma_wait3A_259 = tpu.memref_slice %arg7[%dma_wait3A_257, %dma_wait3A_258] : memref<512x64xf32, #tpu.memory_space<vmem>> -> memref<128x64xf32, #tpu.memory_space<vmem>>
      %dma_wait3A_260 = arith.constant 0 : i32
      %dma_wait3A_261 = tpu.memref_slice %arg5[%dma_wait3A_256, %dma_wait3A_260] : memref<104x128xi32, #tpu.memory_space<vmem>> -> memref<1x128xi32, #tpu.memory_space<vmem>>
      %dma_wait3A_262 = tpu.memref_squeeze %dma_wait3A_261 : memref<1x128xi32, #tpu.memory_space<vmem>> -> memref<128xi32, #tpu.memory_space<vmem>>
      %dma_wait3A_263 = arith.constant 0 : i32
      %dma_wait3A_264 = arith.constant 0 : i32
      %dma_wait3A_265 = tpu.memref_slice %arg3[%dma_wait3A_263, %dma_wait3A_264] : memref<1000000x64xf32, #tpu.memory_space<hbm>> -> memref<1000000x64xf32, #tpu.memory_space<hbm>>
      tpu.wait_indirect_dma semaphore(%arg9 : memref<!tpu.dma_semaphore, #tpu.memory_space<semaphore_mem>>) src(%dma_wait3A_265 : memref<1000000x64xf32, #tpu.memory_space<hbm>>) dst(%dma_wait3A_259 : memref<128x64xf32, #tpu.memory_space<vmem>>)
      %dma_wait3A_266 = arith.constant 3 : i32
      %dma_wait3A_267 = arith.constant 384 : i32
      %dma_wait3A_268 = arith.constant 0 : i32
      %dma_wait3A_269 = tpu.memref_slice %arg7[%dma_wait3A_267, %dma_wait3A_268] : memref<512x64xf32, #tpu.memory_space<vmem>> -> memref<128x64xf32, #tpu.memory_space<vmem>>
      %dma_wait3A_270 = arith.constant 0 : i32
      %dma_wait3A_271 = tpu.memref_slice %arg5[%dma_wait3A_266, %dma_wait3A_270] : memref<104x128xi32, #tpu.memory_space<vmem>> -> memref<1x128xi32, #tpu.memory_space<vmem>>
      %dma_wait3A_272 = tpu.memref_squeeze %dma_wait3A_271 : memref<1x128xi32, #tpu.memory_space<vmem>> -> memref<128xi32, #tpu.memory_space<vmem>>
      %dma_wait3A_273 = arith.constant 0 : i32
      %dma_wait3A_274 = arith.constant 0 : i32
      %dma_wait3A_275 = tpu.memref_slice %arg3[%dma_wait3A_273, %dma_wait3A_274] : memref<1000000x64xf32, #tpu.memory_space<hbm>> -> memref<1000000x64xf32, #tpu.memory_space<hbm>>
      tpu.wait_indirect_dma semaphore(%arg9 : memref<!tpu.dma_semaphore, #tpu.memory_space<semaphore_mem>>) src(%dma_wait3A_275 : memref<1000000x64xf32, #tpu.memory_space<hbm>>) dst(%dma_wait3A_269 : memref<128x64xf32, #tpu.memory_space<vmem>>)
      %sub3A_276 = arith.constant 1 : i32
      %sub3A_277 = arith.subi %add3A_235, %sub3A_276 : i32
      %mul3A_278 = arith.constant 512 : i32
      %mul3A_279 = arith.muli %sub3A_277, %mul3A_278 : i32
      %add3A_280 = arith.addi %mul3A_2, %mul3A_279 : i32
      %multiple_of3A_281 = tpu.assume_multiple %add3A_280, 512 : i32
      %dma_wait3A_282 = arith.constant 0 : i32
      %dma_wait3A_283 = tpu.memref_slice %arg4[%multiple_of3A_281, %dma_wait3A_282] : memref<409600x64xf32, #tpu.memory_space<hbm>> -> memref<512x64xf32, #tpu.memory_space<hbm>>
      %dma_wait3A_284 = arith.constant 0 : i32
      %dma_wait3A_285 = tpu.memref_slice %arg4[%multiple_of3A_281, %dma_wait3A_284] : memref<409600x64xf32, #tpu.memory_space<hbm>> -> memref<512x64xf32, #tpu.memory_space<hbm>>
      tpu.wait_dma2 semaphore(%arg10 : memref<!tpu.dma_semaphore, #tpu.memory_space<semaphore_mem>>) src(%arg6 : memref<512x64xf32, #tpu.memory_space<vmem>>) dst(%dma_wait3A_285 : memref<512x64xf32, #tpu.memory_space<hbm>>)
      %add3A_286 = arith.constant 1 : i32
      %add3A_287 = arith.addi %add3A_235, %add3A_286 : i32
      %rem3A_288 = arith.constant 25 : i32
      %rem3A_289 = arith.remsi %add3A_287, %rem3A_288 : i32
      %mul3A_290 = arith.constant 4 : i32
      %mul3A_291 = arith.muli %rem3A_289, %mul3A_290 : i32
      %add3A_292 = arith.addi %mul3A_13, %mul3A_291 : i32
      %add3A_293 = arith.constant 0 : i32
      %add3A_294 = arith.addi %add3A_292, %add3A_293 : i32
      %dma_start3A_295 = arith.constant 0 : i32
      %dma_start3A_296 = arith.constant 0 : i32
      %dma_start3A_297 = tpu.memref_slice %arg6[%dma_start3A_295, %dma_start3A_296] : memref<512x64xf32, #tpu.memory_space<vmem>> -> memref<128x64xf32, #tpu.memory_space<vmem>>
      %dma_start3A_298 = arith.constant 0 : i32
      %dma_start3A_299 = tpu.memref_slice %arg5[%add3A_294, %dma_start3A_298] : memref<104x128xi32, #tpu.memory_space<vmem>> -> memref<1x128xi32, #tpu.memory_space<vmem>>
      %dma_start3A_300 = tpu.memref_squeeze %dma_start3A_299 : memref<1x128xi32, #tpu.memory_space<vmem>> -> memref<128xi32, #tpu.memory_space<vmem>>
      %dma_start3A_301 = arith.constant 0 : i32
      %dma_start3A_302 = arith.constant 0 : i32
      %dma_start3A_303 = tpu.memref_slice %arg3[%dma_start3A_301, %dma_start3A_302] : memref<1000000x64xf32, #tpu.memory_space<hbm>> -> memref<1000000x64xf32, #tpu.memory_space<hbm>>
      tpu.enqueue_indirect_dma source(%dma_start3A_303 : memref<1000000x64xf32, #tpu.memory_space<hbm>>) target(%dma_start3A_297 : memref<128x64xf32, #tpu.memory_space<vmem>>) offsets(%dma_start3A_300 : memref<128xi32, #tpu.memory_space<vmem>>) semaphore(%arg8 : memref<!tpu.dma_semaphore, #tpu.memory_space<semaphore_mem>>)
      %mul3A_304 = arith.constant 4 : i32
      %mul3A_305 = arith.muli %rem3A_289, %mul3A_304 : i32
      %add3A_306 = arith.addi %mul3A_13, %mul3A_305 : i32
      %add3A_307 = arith.constant 1 : i32
      %add3A_308 = arith.addi %add3A_306, %add3A_307 : i32
      %dma_start3A_309 = arith.constant 128 : i32
      %dma_start3A_310 = arith.constant 0 : i32
      %dma_start3A_311 = tpu.memref_slice %arg6[%dma_start3A_309, %dma_start3A_310] : memref<512x64xf32, #tpu.memory_space<vmem>> -> memref<128x64xf32, #tpu.memory_space<vmem>>
      %dma_start3A_312 = arith.constant 0 : i32
      %dma_start3A_313 = tpu.memref_slice %arg5[%add3A_308, %dma_start3A_312] : memref<104x128xi32, #tpu.memory_space<vmem>> -> memref<1x128xi32, #tpu.memory_space<vmem>>
      %dma_start3A_314 = tpu.memref_squeeze %dma_start3A_313 : memref<1x128xi32, #tpu.memory_space<vmem>> -> memref<128xi32, #tpu.memory_space<vmem>>
      %dma_start3A_315 = arith.constant 0 : i32
      %dma_start3A_316 = arith.constant 0 : i32
      %dma_start3A_317 = tpu.memref_slice %arg3[%dma_start3A_315, %dma_start3A_316] : memref<1000000x64xf32, #tpu.memory_space<hbm>> -> memref<1000000x64xf32, #tpu.memory_space<hbm>>
      tpu.enqueue_indirect_dma source(%dma_start3A_317 : memref<1000000x64xf32, #tpu.memory_space<hbm>>) target(%dma_start3A_311 : memref<128x64xf32, #tpu.memory_space<vmem>>) offsets(%dma_start3A_314 : memref<128xi32, #tpu.memory_space<vmem>>) semaphore(%arg8 : memref<!tpu.dma_semaphore, #tpu.memory_space<semaphore_mem>>)
      %mul3A_318 = arith.constant 4 : i32
      %mul3A_319 = arith.muli %rem3A_289, %mul3A_318 : i32
      %add3A_320 = arith.addi %mul3A_13, %mul3A_319 : i32
      %add3A_321 = arith.constant 2 : i32
      %add3A_322 = arith.addi %add3A_320, %add3A_321 : i32
      %dma_start3A_323 = arith.constant 256 : i32
      %dma_start3A_324 = arith.constant 0 : i32
      %dma_start3A_325 = tpu.memref_slice %arg6[%dma_start3A_323, %dma_start3A_324] : memref<512x64xf32, #tpu.memory_space<vmem>> -> memref<128x64xf32, #tpu.memory_space<vmem>>
      %dma_start3A_326 = arith.constant 0 : i32
      %dma_start3A_327 = tpu.memref_slice %arg5[%add3A_322, %dma_start3A_326] : memref<104x128xi32, #tpu.memory_space<vmem>> -> memref<1x128xi32, #tpu.memory_space<vmem>>
      %dma_start3A_328 = tpu.memref_squeeze %dma_start3A_327 : memref<1x128xi32, #tpu.memory_space<vmem>> -> memref<128xi32, #tpu.memory_space<vmem>>
      %dma_start3A_329 = arith.constant 0 : i32
      %dma_start3A_330 = arith.constant 0 : i32
      %dma_start3A_331 = tpu.memref_slice %arg3[%dma_start3A_329, %dma_start3A_330] : memref<1000000x64xf32, #tpu.memory_space<hbm>> -> memref<1000000x64xf32, #tpu.memory_space<hbm>>
      tpu.enqueue_indirect_dma source(%dma_start3A_331 : memref<1000000x64xf32, #tpu.memory_space<hbm>>) target(%dma_start3A_325 : memref<128x64xf32, #tpu.memory_space<vmem>>) offsets(%dma_start3A_328 : memref<128xi32, #tpu.memory_space<vmem>>) semaphore(%arg8 : memref<!tpu.dma_semaphore, #tpu.memory_space<semaphore_mem>>)
      %mul3A_332 = arith.constant 4 : i32
      %mul3A_333 = arith.muli %rem3A_289, %mul3A_332 : i32
      %add3A_334 = arith.addi %mul3A_13, %mul3A_333 : i32
      %add3A_335 = arith.constant 3 : i32
      %add3A_336 = arith.addi %add3A_334, %add3A_335 : i32
      %dma_start3A_337 = arith.constant 384 : i32
      %dma_start3A_338 = arith.constant 0 : i32
      %dma_start3A_339 = tpu.memref_slice %arg6[%dma_start3A_337, %dma_start3A_338] : memref<512x64xf32, #tpu.memory_space<vmem>> -> memref<128x64xf32, #tpu.memory_space<vmem>>
      %dma_start3A_340 = arith.constant 0 : i32
      %dma_start3A_341 = tpu.memref_slice %arg5[%add3A_336, %dma_start3A_340] : memref<104x128xi32, #tpu.memory_space<vmem>> -> memref<1x128xi32, #tpu.memory_space<vmem>>
      %dma_start3A_342 = tpu.memref_squeeze %dma_start3A_341 : memref<1x128xi32, #tpu.memory_space<vmem>> -> memref<128xi32, #tpu.memory_space<vmem>>
      %dma_start3A_343 = arith.constant 0 : i32
      %dma_start3A_344 = arith.constant 0 : i32
      %dma_start3A_345 = tpu.memref_slice %arg3[%dma_start3A_343, %dma_start3A_344] : memref<1000000x64xf32, #tpu.memory_space<hbm>> -> memref<1000000x64xf32, #tpu.memory_space<hbm>>
      tpu.enqueue_indirect_dma source(%dma_start3A_345 : memref<1000000x64xf32, #tpu.memory_space<hbm>>) target(%dma_start3A_339 : memref<128x64xf32, #tpu.memory_space<vmem>>) offsets(%dma_start3A_342 : memref<128xi32, #tpu.memory_space<vmem>>) semaphore(%arg8 : memref<!tpu.dma_semaphore, #tpu.memory_space<semaphore_mem>>)
      %mul3A_346 = arith.constant 512 : i32
      %mul3A_347 = arith.muli %add3A_235, %mul3A_346 : i32
      %add3A_348 = arith.addi %mul3A_2, %mul3A_347 : i32
      %multiple_of3A_349 = tpu.assume_multiple %add3A_348, 512 : i32
      %dma_start3A_350 = arith.constant 0 : i32
      %dma_start3A_351 = tpu.memref_slice %arg4[%multiple_of3A_349, %dma_start3A_350] : memref<409600x64xf32, #tpu.memory_space<hbm>> -> memref<512x64xf32, #tpu.memory_space<hbm>>
      %dma_start3A_352 = arith.constant 0 : i32
      %dma_start3A_353 = tpu.memref_slice %arg4[%multiple_of3A_349, %dma_start3A_352] : memref<409600x64xf32, #tpu.memory_space<hbm>> -> memref<512x64xf32, #tpu.memory_space<hbm>>
      tpu.enqueue_dma source(%arg7 : memref<512x64xf32, #tpu.memory_space<vmem>>) target(%dma_start3A_353 : memref<512x64xf32, #tpu.memory_space<hbm>>) target_semaphore(%arg11 : memref<!tpu.dma_semaphore, #tpu.memory_space<semaphore_mem>>)
      %dma_wait3A_354 = arith.constant 0 : i32
      %dma_wait3A_355 = arith.constant 0 : i32
      %dma_wait3A_356 = arith.constant 0 : i32
      %dma_wait3A_357 = tpu.memref_slice %arg6[%dma_wait3A_355, %dma_wait3A_356] : memref<512x64xf32, #tpu.memory_space<vmem>> -> memref<128x64xf32, #tpu.memory_space<vmem>>
      %dma_wait3A_358 = arith.constant 0 : i32
      %dma_wait3A_359 = tpu.memref_slice %arg5[%dma_wait3A_354, %dma_wait3A_358] : memref<104x128xi32, #tpu.memory_space<vmem>> -> memref<1x128xi32, #tpu.memory_space<vmem>>
      %dma_wait3A_360 = tpu.memref_squeeze %dma_wait3A_359 : memref<1x128xi32, #tpu.memory_space<vmem>> -> memref<128xi32, #tpu.memory_space<vmem>>
      %dma_wait3A_361 = arith.constant 0 : i32
      %dma_wait3A_362 = arith.constant 0 : i32
      %dma_wait3A_363 = tpu.memref_slice %arg3[%dma_wait3A_361, %dma_wait3A_362] : memref<1000000x64xf32, #tpu.memory_space<hbm>> -> memref<1000000x64xf32, #tpu.memory_space<hbm>>
      tpu.wait_indirect_dma semaphore(%arg8 : memref<!tpu.dma_semaphore, #tpu.memory_space<semaphore_mem>>) src(%dma_wait3A_363 : memref<1000000x64xf32, #tpu.memory_space<hbm>>) dst(%dma_wait3A_357 : memref<128x64xf32, #tpu.memory_space<vmem>>)
      %dma_wait3A_364 = arith.constant 1 : i32
      %dma_wait3A_365 = arith.constant 128 : i32
      %dma_wait3A_366 = arith.constant 0 : i32
      %dma_wait3A_367 = tpu.memref_slice %arg6[%dma_wait3A_365, %dma_wait3A_366] : memref<512x64xf32, #tpu.memory_space<vmem>> -> memref<128x64xf32, #tpu.memory_space<vmem>>
      %dma_wait3A_368 = arith.constant 0 : i32
      %dma_wait3A_369 = tpu.memref_slice %arg5[%dma_wait3A_364, %dma_wait3A_368] : memref<104x128xi32, #tpu.memory_space<vmem>> -> memref<1x128xi32, #tpu.memory_space<vmem>>
      %dma_wait3A_370 = tpu.memref_squeeze %dma_wait3A_369 : memref<1x128xi32, #tpu.memory_space<vmem>> -> memref<128xi32, #tpu.memory_space<vmem>>
      %dma_wait3A_371 = arith.constant 0 : i32
      %dma_wait3A_372 = arith.constant 0 : i32
      %dma_wait3A_373 = tpu.memref_slice %arg3[%dma_wait3A_371, %dma_wait3A_372] : memref<1000000x64xf32, #tpu.memory_space<hbm>> -> memref<1000000x64xf32, #tpu.memory_space<hbm>>
      tpu.wait_indirect_dma semaphore(%arg8 : memref<!tpu.dma_semaphore, #tpu.memory_space<semaphore_mem>>) src(%dma_wait3A_373 : memref<1000000x64xf32, #tpu.memory_space<hbm>>) dst(%dma_wait3A_367 : memref<128x64xf32, #tpu.memory_space<vmem>>)
      %dma_wait3A_374 = arith.constant 2 : i32
      %dma_wait3A_375 = arith.constant 256 : i32
      %dma_wait3A_376 = arith.constant 0 : i32
      %dma_wait3A_377 = tpu.memref_slice %arg6[%dma_wait3A_375, %dma_wait3A_376] : memref<512x64xf32, #tpu.memory_space<vmem>> -> memref<128x64xf32, #tpu.memory_space<vmem>>
      %dma_wait3A_378 = arith.constant 0 : i32
      %dma_wait3A_379 = tpu.memref_slice %arg5[%dma_wait3A_374, %dma_wait3A_378] : memref<104x128xi32, #tpu.memory_space<vmem>> -> memref<1x128xi32, #tpu.memory_space<vmem>>
      %dma_wait3A_380 = tpu.memref_squeeze %dma_wait3A_379 : memref<1x128xi32, #tpu.memory_space<vmem>> -> memref<128xi32, #tpu.memory_space<vmem>>
      %dma_wait3A_381 = arith.constant 0 : i32
      %dma_wait3A_382 = arith.constant 0 : i32
      %dma_wait3A_383 = tpu.memref_slice %arg3[%dma_wait3A_381, %dma_wait3A_382] : memref<1000000x64xf32, #tpu.memory_space<hbm>> -> memref<1000000x64xf32, #tpu.memory_space<hbm>>
      tpu.wait_indirect_dma semaphore(%arg8 : memref<!tpu.dma_semaphore, #tpu.memory_space<semaphore_mem>>) src(%dma_wait3A_383 : memref<1000000x64xf32, #tpu.memory_space<hbm>>) dst(%dma_wait3A_377 : memref<128x64xf32, #tpu.memory_space<vmem>>)
      %dma_wait3A_384 = arith.constant 3 : i32
      %dma_wait3A_385 = arith.constant 384 : i32
      %dma_wait3A_386 = arith.constant 0 : i32
      %dma_wait3A_387 = tpu.memref_slice %arg6[%dma_wait3A_385, %dma_wait3A_386] : memref<512x64xf32, #tpu.memory_space<vmem>> -> memref<128x64xf32, #tpu.memory_space<vmem>>
      %dma_wait3A_388 = arith.constant 0 : i32
      %dma_wait3A_389 = tpu.memref_slice %arg5[%dma_wait3A_384, %dma_wait3A_388] : memref<104x128xi32, #tpu.memory_space<vmem>> -> memref<1x128xi32, #tpu.memory_space<vmem>>
      %dma_wait3A_390 = tpu.memref_squeeze %dma_wait3A_389 : memref<1x128xi32, #tpu.memory_space<vmem>> -> memref<128xi32, #tpu.memory_space<vmem>>
      %dma_wait3A_391 = arith.constant 0 : i32
      %dma_wait3A_392 = arith.constant 0 : i32
      %dma_wait3A_393 = tpu.memref_slice %arg3[%dma_wait3A_391, %dma_wait3A_392] : memref<1000000x64xf32, #tpu.memory_space<hbm>> -> memref<1000000x64xf32, #tpu.memory_space<hbm>>
      tpu.wait_indirect_dma semaphore(%arg8 : memref<!tpu.dma_semaphore, #tpu.memory_space<semaphore_mem>>) src(%dma_wait3A_393 : memref<1000000x64xf32, #tpu.memory_space<hbm>>) dst(%dma_wait3A_387 : memref<128x64xf32, #tpu.memory_space<vmem>>)
      %mul3A_394 = arith.constant 512 : i32
      %mul3A_395 = arith.muli %add3A_235, %mul3A_394 : i32
      %add3A_396 = arith.addi %mul3A_2, %mul3A_395 : i32
      %multiple_of3A_397 = tpu.assume_multiple %add3A_396, 512 : i32
      %dma_wait3A_398 = arith.constant 0 : i32
      %dma_wait3A_399 = tpu.memref_slice %arg4[%multiple_of3A_397, %dma_wait3A_398] : memref<409600x64xf32, #tpu.memory_space<hbm>> -> memref<512x64xf32, #tpu.memory_space<hbm>>
      %dma_wait3A_400 = arith.constant 0 : i32
      %dma_wait3A_401 = tpu.memref_slice %arg4[%multiple_of3A_397, %dma_wait3A_400] : memref<409600x64xf32, #tpu.memory_space<hbm>> -> memref<512x64xf32, #tpu.memory_space<hbm>>
      tpu.wait_dma2 semaphore(%arg11 : memref<!tpu.dma_semaphore, #tpu.memory_space<semaphore_mem>>) src(%arg7 : memref<512x64xf32, #tpu.memory_space<vmem>>) dst(%dma_wait3A_401 : memref<512x64xf32, #tpu.memory_space<hbm>>)
      %add3A_402 = arith.constant 2 : i32
      %add3A_403 = arith.addi %add3A_235, %add3A_402 : i32
      %rem3A_404 = arith.constant 25 : i32
      %rem3A_405 = arith.remsi %add3A_403, %rem3A_404 : i32
      %mul3A_406 = arith.constant 4 : i32
      %mul3A_407 = arith.muli %rem3A_405, %mul3A_406 : i32
      %add3A_408 = arith.addi %mul3A_13, %mul3A_407 : i32
      %add3A_409 = arith.constant 0 : i32
      %add3A_410 = arith.addi %add3A_408, %add3A_409 : i32
      %dma_start3A_411 = arith.constant 0 : i32
      %dma_start3A_412 = arith.constant 0 : i32
      %dma_start3A_413 = tpu.memref_slice %arg7[%dma_start3A_411, %dma_start3A_412] : memref<512x64xf32, #tpu.memory_space<vmem>> -> memref<128x64xf32, #tpu.memory_space<vmem>>
      %dma_start3A_414 = arith.constant 0 : i32
      %dma_start3A_415 = tpu.memref_slice %arg5[%add3A_410, %dma_start3A_414] : memref<104x128xi32, #tpu.memory_space<vmem>> -> memref<1x128xi32, #tpu.memory_space<vmem>>
      %dma_start3A_416 = tpu.memref_squeeze %dma_start3A_415 : memref<1x128xi32, #tpu.memory_space<vmem>> -> memref<128xi32, #tpu.memory_space<vmem>>
      %dma_start3A_417 = arith.constant 0 : i32
      %dma_start3A_418 = arith.constant 0 : i32
      %dma_start3A_419 = tpu.memref_slice %arg3[%dma_start3A_417, %dma_start3A_418] : memref<1000000x64xf32, #tpu.memory_space<hbm>> -> memref<1000000x64xf32, #tpu.memory_space<hbm>>
      tpu.enqueue_indirect_dma source(%dma_start3A_419 : memref<1000000x64xf32, #tpu.memory_space<hbm>>) target(%dma_start3A_413 : memref<128x64xf32, #tpu.memory_space<vmem>>) offsets(%dma_start3A_416 : memref<128xi32, #tpu.memory_space<vmem>>) semaphore(%arg9 : memref<!tpu.dma_semaphore, #tpu.memory_space<semaphore_mem>>)
      %mul3A_420 = arith.constant 4 : i32
      %mul3A_421 = arith.muli %rem3A_405, %mul3A_420 : i32
      %add3A_422 = arith.addi %mul3A_13, %mul3A_421 : i32
      %add3A_423 = arith.constant 1 : i32
      %add3A_424 = arith.addi %add3A_422, %add3A_423 : i32
      %dma_start3A_425 = arith.constant 128 : i32
      %dma_start3A_426 = arith.constant 0 : i32
      %dma_start3A_427 = tpu.memref_slice %arg7[%dma_start3A_425, %dma_start3A_426] : memref<512x64xf32, #tpu.memory_space<vmem>> -> memref<128x64xf32, #tpu.memory_space<vmem>>
      %dma_start3A_428 = arith.constant 0 : i32
      %dma_start3A_429 = tpu.memref_slice %arg5[%add3A_424, %dma_start3A_428] : memref<104x128xi32, #tpu.memory_space<vmem>> -> memref<1x128xi32, #tpu.memory_space<vmem>>
      %dma_start3A_430 = tpu.memref_squeeze %dma_start3A_429 : memref<1x128xi32, #tpu.memory_space<vmem>> -> memref<128xi32, #tpu.memory_space<vmem>>
      %dma_start3A_431 = arith.constant 0 : i32
      %dma_start3A_432 = arith.constant 0 : i32
      %dma_start3A_433 = tpu.memref_slice %arg3[%dma_start3A_431, %dma_start3A_432] : memref<1000000x64xf32, #tpu.memory_space<hbm>> -> memref<1000000x64xf32, #tpu.memory_space<hbm>>
      tpu.enqueue_indirect_dma source(%dma_start3A_433 : memref<1000000x64xf32, #tpu.memory_space<hbm>>) target(%dma_start3A_427 : memref<128x64xf32, #tpu.memory_space<vmem>>) offsets(%dma_start3A_430 : memref<128xi32, #tpu.memory_space<vmem>>) semaphore(%arg9 : memref<!tpu.dma_semaphore, #tpu.memory_space<semaphore_mem>>)
      %mul3A_434 = arith.constant 4 : i32
      %mul3A_435 = arith.muli %rem3A_405, %mul3A_434 : i32
      %add3A_436 = arith.addi %mul3A_13, %mul3A_435 : i32
      %add3A_437 = arith.constant 2 : i32
      %add3A_438 = arith.addi %add3A_436, %add3A_437 : i32
      %dma_start3A_439 = arith.constant 256 : i32
      %dma_start3A_440 = arith.constant 0 : i32
      %dma_start3A_441 = tpu.memref_slice %arg7[%dma_start3A_439, %dma_start3A_440] : memref<512x64xf32, #tpu.memory_space<vmem>> -> memref<128x64xf32, #tpu.memory_space<vmem>>
      %dma_start3A_442 = arith.constant 0 : i32
      %dma_start3A_443 = tpu.memref_slice %arg5[%add3A_438, %dma_start3A_442] : memref<104x128xi32, #tpu.memory_space<vmem>> -> memref<1x128xi32, #tpu.memory_space<vmem>>
      %dma_start3A_444 = tpu.memref_squeeze %dma_start3A_443 : memref<1x128xi32, #tpu.memory_space<vmem>> -> memref<128xi32, #tpu.memory_space<vmem>>
      %dma_start3A_445 = arith.constant 0 : i32
      %dma_start3A_446 = arith.constant 0 : i32
      %dma_start3A_447 = tpu.memref_slice %arg3[%dma_start3A_445, %dma_start3A_446] : memref<1000000x64xf32, #tpu.memory_space<hbm>> -> memref<1000000x64xf32, #tpu.memory_space<hbm>>
      tpu.enqueue_indirect_dma source(%dma_start3A_447 : memref<1000000x64xf32, #tpu.memory_space<hbm>>) target(%dma_start3A_441 : memref<128x64xf32, #tpu.memory_space<vmem>>) offsets(%dma_start3A_444 : memref<128xi32, #tpu.memory_space<vmem>>) semaphore(%arg9 : memref<!tpu.dma_semaphore, #tpu.memory_space<semaphore_mem>>)
      %mul3A_448 = arith.constant 4 : i32
      %mul3A_449 = arith.muli %rem3A_405, %mul3A_448 : i32
      %add3A_450 = arith.addi %mul3A_13, %mul3A_449 : i32
      %add3A_451 = arith.constant 3 : i32
      %add3A_452 = arith.addi %add3A_450, %add3A_451 : i32
      %dma_start3A_453 = arith.constant 384 : i32
      %dma_start3A_454 = arith.constant 0 : i32
      %dma_start3A_455 = tpu.memref_slice %arg7[%dma_start3A_453, %dma_start3A_454] : memref<512x64xf32, #tpu.memory_space<vmem>> -> memref<128x64xf32, #tpu.memory_space<vmem>>
      %dma_start3A_456 = arith.constant 0 : i32
      %dma_start3A_457 = tpu.memref_slice %arg5[%add3A_452, %dma_start3A_456] : memref<104x128xi32, #tpu.memory_space<vmem>> -> memref<1x128xi32, #tpu.memory_space<vmem>>
      %dma_start3A_458 = tpu.memref_squeeze %dma_start3A_457 : memref<1x128xi32, #tpu.memory_space<vmem>> -> memref<128xi32, #tpu.memory_space<vmem>>
      %dma_start3A_459 = arith.constant 0 : i32
      %dma_start3A_460 = arith.constant 0 : i32
      %dma_start3A_461 = tpu.memref_slice %arg3[%dma_start3A_459, %dma_start3A_460] : memref<1000000x64xf32, #tpu.memory_space<hbm>> -> memref<1000000x64xf32, #tpu.memory_space<hbm>>
      tpu.enqueue_indirect_dma source(%dma_start3A_461 : memref<1000000x64xf32, #tpu.memory_space<hbm>>) target(%dma_start3A_455 : memref<128x64xf32, #tpu.memory_space<vmem>>) offsets(%dma_start3A_458 : memref<128xi32, #tpu.memory_space<vmem>>) semaphore(%arg9 : memref<!tpu.dma_semaphore, #tpu.memory_space<semaphore_mem>>)
      %add3A_462 = arith.constant 1 : i32
      %add3A_463 = arith.addi %add3A_235, %add3A_462 : i32
      %mul3A_464 = arith.constant 512 : i32
      %mul3A_465 = arith.muli %add3A_463, %mul3A_464 : i32
      %add3A_466 = arith.addi %mul3A_2, %mul3A_465 : i32
      %multiple_of3A_467 = tpu.assume_multiple %add3A_466, 512 : i32
      %dma_start3A_468 = arith.constant 0 : i32
      %dma_start3A_469 = tpu.memref_slice %arg4[%multiple_of3A_467, %dma_start3A_468] : memref<409600x64xf32, #tpu.memory_space<hbm>> -> memref<512x64xf32, #tpu.memory_space<hbm>>
      %dma_start3A_470 = arith.constant 0 : i32
      %dma_start3A_471 = tpu.memref_slice %arg4[%multiple_of3A_467, %dma_start3A_470] : memref<409600x64xf32, #tpu.memory_space<hbm>> -> memref<512x64xf32, #tpu.memory_space<hbm>>
      tpu.enqueue_dma source(%arg6 : memref<512x64xf32, #tpu.memory_space<vmem>>) target(%dma_start3A_471 : memref<512x64xf32, #tpu.memory_space<hbm>>) target_semaphore(%arg10 : memref<!tpu.dma_semaphore, #tpu.memory_space<semaphore_mem>>)
    }
    %scan3A_183 = arith.constant 12 : i32
    %dma_wait3A_184 = arith.constant 0 : i32
    %dma_wait3A_185 = arith.constant 0 : i32
    %dma_wait3A_186 = arith.constant 0 : i32
    %dma_wait3A_187 = tpu.memref_slice %arg7[%dma_wait3A_185, %dma_wait3A_186] : memref<512x64xf32, #tpu.memory_space<vmem>> -> memref<128x64xf32, #tpu.memory_space<vmem>>
    %dma_wait3A_188 = arith.constant 0 : i32
    %dma_wait3A_189 = tpu.memref_slice %arg5[%dma_wait3A_184, %dma_wait3A_188] : memref<104x128xi32, #tpu.memory_space<vmem>> -> memref<1x128xi32, #tpu.memory_space<vmem>>
    %dma_wait3A_190 = tpu.memref_squeeze %dma_wait3A_189 : memref<1x128xi32, #tpu.memory_space<vmem>> -> memref<128xi32, #tpu.memory_space<vmem>>
    %dma_wait3A_191 = arith.constant 0 : i32
    %dma_wait3A_192 = arith.constant 0 : i32
    %dma_wait3A_193 = tpu.memref_slice %arg3[%dma_wait3A_191, %dma_wait3A_192] : memref<1000000x64xf32, #tpu.memory_space<hbm>> -> memref<1000000x64xf32, #tpu.memory_space<hbm>>
    tpu.wait_indirect_dma semaphore(%arg9 : memref<!tpu.dma_semaphore, #tpu.memory_space<semaphore_mem>>) src(%dma_wait3A_193 : memref<1000000x64xf32, #tpu.memory_space<hbm>>) dst(%dma_wait3A_187 : memref<128x64xf32, #tpu.memory_space<vmem>>)
    %dma_wait3A_194 = arith.constant 1 : i32
    %dma_wait3A_195 = arith.constant 128 : i32
    %dma_wait3A_196 = arith.constant 0 : i32
    %dma_wait3A_197 = tpu.memref_slice %arg7[%dma_wait3A_195, %dma_wait3A_196] : memref<512x64xf32, #tpu.memory_space<vmem>> -> memref<128x64xf32, #tpu.memory_space<vmem>>
    %dma_wait3A_198 = arith.constant 0 : i32
    %dma_wait3A_199 = tpu.memref_slice %arg5[%dma_wait3A_194, %dma_wait3A_198] : memref<104x128xi32, #tpu.memory_space<vmem>> -> memref<1x128xi32, #tpu.memory_space<vmem>>
    %dma_wait3A_200 = tpu.memref_squeeze %dma_wait3A_199 : memref<1x128xi32, #tpu.memory_space<vmem>> -> memref<128xi32, #tpu.memory_space<vmem>>
    %dma_wait3A_201 = arith.constant 0 : i32
    %dma_wait3A_202 = arith.constant 0 : i32
    %dma_wait3A_203 = tpu.memref_slice %arg3[%dma_wait3A_201, %dma_wait3A_202] : memref<1000000x64xf32, #tpu.memory_space<hbm>> -> memref<1000000x64xf32, #tpu.memory_space<hbm>>
    tpu.wait_indirect_dma semaphore(%arg9 : memref<!tpu.dma_semaphore, #tpu.memory_space<semaphore_mem>>) src(%dma_wait3A_203 : memref<1000000x64xf32, #tpu.memory_space<hbm>>) dst(%dma_wait3A_197 : memref<128x64xf32, #tpu.memory_space<vmem>>)
    %dma_wait3A_204 = arith.constant 2 : i32
    %dma_wait3A_205 = arith.constant 256 : i32
    %dma_wait3A_206 = arith.constant 0 : i32
    %dma_wait3A_207 = tpu.memref_slice %arg7[%dma_wait3A_205, %dma_wait3A_206] : memref<512x64xf32, #tpu.memory_space<vmem>> -> memref<128x64xf32, #tpu.memory_space<vmem>>
    %dma_wait3A_208 = arith.constant 0 : i32
    %dma_wait3A_209 = tpu.memref_slice %arg5[%dma_wait3A_204, %dma_wait3A_208] : memref<104x128xi32, #tpu.memory_space<vmem>> -> memref<1x128xi32, #tpu.memory_space<vmem>>
    %dma_wait3A_210 = tpu.memref_squeeze %dma_wait3A_209 : memref<1x128xi32, #tpu.memory_space<vmem>> -> memref<128xi32, #tpu.memory_space<vmem>>
    %dma_wait3A_211 = arith.constant 0 : i32
    %dma_wait3A_212 = arith.constant 0 : i32
    %dma_wait3A_213 = tpu.memref_slice %arg3[%dma_wait3A_211, %dma_wait3A_212] : memref<1000000x64xf32, #tpu.memory_space<hbm>> -> memref<1000000x64xf32, #tpu.memory_space<hbm>>
    tpu.wait_indirect_dma semaphore(%arg9 : memref<!tpu.dma_semaphore, #tpu.memory_space<semaphore_mem>>) src(%dma_wait3A_213 : memref<1000000x64xf32, #tpu.memory_space<hbm>>) dst(%dma_wait3A_207 : memref<128x64xf32, #tpu.memory_space<vmem>>)
    %dma_wait3A_214 = arith.constant 3 : i32
    %dma_wait3A_215 = arith.constant 384 : i32
    %dma_wait3A_216 = arith.constant 0 : i32
    %dma_wait3A_217 = tpu.memref_slice %arg7[%dma_wait3A_215, %dma_wait3A_216] : memref<512x64xf32, #tpu.memory_space<vmem>> -> memref<128x64xf32, #tpu.memory_space<vmem>>
    %dma_wait3A_218 = arith.constant 0 : i32
    %dma_wait3A_219 = tpu.memref_slice %arg5[%dma_wait3A_214, %dma_wait3A_218] : memref<104x128xi32, #tpu.memory_space<vmem>> -> memref<1x128xi32, #tpu.memory_space<vmem>>
    %dma_wait3A_220 = tpu.memref_squeeze %dma_wait3A_219 : memref<1x128xi32, #tpu.memory_space<vmem>> -> memref<128xi32, #tpu.memory_space<vmem>>
    %dma_wait3A_221 = arith.constant 0 : i32
    %dma_wait3A_222 = arith.constant 0 : i32
    %dma_wait3A_223 = tpu.memref_slice %arg3[%dma_wait3A_221, %dma_wait3A_222] : memref<1000000x64xf32, #tpu.memory_space<hbm>> -> memref<1000000x64xf32, #tpu.memory_space<hbm>>
    tpu.wait_indirect_dma semaphore(%arg9 : memref<!tpu.dma_semaphore, #tpu.memory_space<semaphore_mem>>) src(%dma_wait3A_223 : memref<1000000x64xf32, #tpu.memory_space<hbm>>) dst(%dma_wait3A_217 : memref<128x64xf32, #tpu.memory_space<vmem>>)
    %add3A_224 = arith.constant 12288 : i32
    %add3A_225 = arith.addi %mul3A_2, %add3A_224 : i32
    %multiple_of3A_226 = tpu.assume_multiple %add3A_225, 512 : i32
    %dma_wait3A_227 = arith.constant 0 : i32
    %dma_wait3A_228 = tpu.memref_slice %arg4[%multiple_of3A_226, %dma_wait3A_227] : memref<409600x64xf32, #tpu.memory_space<hbm>> -> memref<512x64xf32, #tpu.memory_space<hbm>>
    %dma_wait3A_229 = arith.constant 0 : i32
    %dma_wait3A_230 = tpu.memref_slice %arg4[%multiple_of3A_226, %dma_wait3A_229] : memref<409600x64xf32, #tpu.memory_space<hbm>> -> memref<512x64xf32, #tpu.memory_space<hbm>>
    tpu.wait_dma2 semaphore(%arg10 : memref<!tpu.dma_semaphore, #tpu.memory_space<semaphore_mem>>) src(%arg6 : memref<512x64xf32, #tpu.memory_space<vmem>>) dst(%dma_wait3A_230 : memref<512x64xf32, #tpu.memory_space<hbm>>)
    return
  }
}

#map = affine_map<(d0, d1) -> (0, 0)>
module attributes {stable_mosaic.version = 14 : i64} {
  func.func @_sc_gather(%arg0: i32, %arg1: i32, %arg2: memref<3200x128xi32, #tpu.memory_space<hbm>>, %arg3: memref<1000000x64xf32, #tpu.memory_space<hbm>>, %arg4: memref<409600x64xf32, #tpu.memory_space<hbm>>, %arg5: memref<104x128xi32, #tpu.memory_space<vmem>>, %arg6: memref<512x64xf32, #tpu.memory_space<vmem>>, %arg7: memref<512x64xf32, #tpu.memory_space<vmem>>, %arg8: memref<!tpu.dma_semaphore, #tpu.memory_space<semaphore_mem>>, %arg9: memref<!tpu.dma_semaphore, #tpu.memory_space<semaphore_mem>>, %arg10: memref<!tpu.dma_semaphore, #tpu.memory_space<semaphore_mem>>, %arg11: memref<!tpu.dma_semaphore, #tpu.memory_space<semaphore_mem>>) attributes {dimension_semantics = [#tpu.dimension_semantics<core_parallel>, #tpu.dimension_semantics<subcore_parallel>], iteration_bounds = array<i64: 2, 16>, scalar_prefetch = 0 : i64, scratch_operands = 7 : i64, tpu.core_type = #tpu.core_type<sc_vector_subcore>, window_params = [{transform_indices = #map}, {transform_indices = #map}, {transform_indices = #map}]} {
    %mul3A = arith.constant 2 : i32
    %mul3A_0 = arith.muli %arg1, %mul3A : i32
    %add3A = arith.addi %mul3A_0, %arg0 : i32
    %mul3A_1 = arith.constant 12800 : i32
    %mul3A_2 = arith.muli %add3A, %mul3A_1 : i32
    %jit3A = arith.constant 2 : i32
    %eq3A = arith.constant 0 : i32
    %eq3A_3 = arith.cmpi eq, %jit3A, %eq3A : i32
    %jit3A_4 = arith.constant 1 : i32
    %select_n3A = arith.select %eq3A_3, %jit3A_4, %jit3A : i32
    %rem3A = arith.remsi %add3A, %select_n3A : i32
    %ne3A = arith.constant 0 : i32
    %ne3A_5 = arith.cmpi ne, %rem3A, %ne3A : i32
    %lt3A = arith.constant 0 : i32
    %lt3A_6 = arith.cmpi slt, %rem3A, %lt3A : i32
    %lt3A_7 = arith.constant 0 : i32
    %lt3A_8 = arith.cmpi slt, %select_n3A, %lt3A_7 : i32
    %ne3A_9 = arith.xori %lt3A_6, %lt3A_8 : i1
    %and3A = arith.andi %ne3A_9, %ne3A_5 : i1
    %add3A_10 = arith.addi %rem3A, %select_n3A : i32
    %select_n3A_11 = arith.select %and3A, %add3A_10, %rem3A : i32
    %mul3A_12 = arith.constant 4 : i32
    %mul3A_13 = arith.muli %select_n3A_11, %mul3A_12 : i32
    %mul3A_14 = arith.constant 100 : i32
    %mul3A_15 = arith.muli %add3A, %mul3A_14 : i32
    %sub3A = arith.subi %mul3A_15, %mul3A_13 : i32
    %multiple_of3A = tpu.assume_multiple %sub3A, 8 : i32
    "tpu.region"() ({
      %run_scoped3A = tpu.sem_alloc : memref<!tpu.dma_semaphore, #tpu.memory_space<semaphore_mem>>
      %dma_start3A_231 = arith.constant 0 : i32
      %dma_start3A_232 = tpu.memref_slice %arg2[%multiple_of3A, %dma_start3A_231] : memref<3200x128xi32, #tpu.memory_space<hbm>> -> memref<104x128xi32, #tpu.memory_space<hbm>>
      %dma_start3A_233 = arith.constant 0 : i32
      %dma_start3A_234 = tpu.memref_slice %arg2[%multiple_of3A, %dma_start3A_233] : memref<3200x128xi32, #tpu.memory_space<hbm>> -> memref<104x128xi32, #tpu.memory_space<hbm>>
      tpu.enqueue_dma source(%dma_start3A_234 : memref<104x128xi32, #tpu.memory_space<hbm>>) target(%arg5 : memref<104x128xi32, #tpu.memory_space<vmem>>) target_semaphore(%run_scoped3A : memref<!tpu.dma_semaphore, #tpu.memory_space<semaphore_mem>>)
      %dma_wait3A_235 = arith.constant 0 : i32
      %dma_wait3A_236 = tpu.memref_slice %arg2[%multiple_of3A, %dma_wait3A_235] : memref<3200x128xi32, #tpu.memory_space<hbm>> -> memref<104x128xi32, #tpu.memory_space<hbm>>
      %dma_wait3A_237 = arith.constant 0 : i32
      %dma_wait3A_238 = tpu.memref_slice %arg2[%multiple_of3A, %dma_wait3A_237] : memref<3200x128xi32, #tpu.memory_space<hbm>> -> memref<104x128xi32, #tpu.memory_space<hbm>>
      tpu.wait_dma2 semaphore(%run_scoped3A : memref<!tpu.dma_semaphore, #tpu.memory_space<semaphore_mem>>) src(%dma_wait3A_238 : memref<104x128xi32, #tpu.memory_space<hbm>>) dst(%arg5 : memref<104x128xi32, #tpu.memory_space<vmem>>)
      tpu.yield
    }) : () -> ()
    %rem3A_16 = arith.constant 0 : i32
    %rem3A_17 = arith.constant 25 : i32
    %rem3A_18 = arith.remsi %rem3A_16, %rem3A_17 : i32
    %mul3A_19 = arith.constant 4 : i32
    %mul3A_20 = arith.muli %rem3A_18, %mul3A_19 : i32
    %add3A_21 = arith.addi %mul3A_13, %mul3A_20 : i32
    %add3A_22 = arith.constant 0 : i32
    %add3A_23 = arith.addi %add3A_21, %add3A_22 : i32
    %dma_start3A = arith.constant 0 : i32
    %dma_start3A_24 = arith.constant 0 : i32
    %dma_start3A_25 = tpu.memref_slice %arg6[%dma_start3A, %dma_start3A_24] : memref<512x64xf32, #tpu.memory_space<vmem>> -> memref<128x64xf32, #tpu.memory_space<vmem>>
    %dma_start3A_26 = arith.constant 0 : i32
    %dma_start3A_27 = tpu.memref_slice %arg5[%add3A_23, %dma_start3A_26] : memref<104x128xi32, #tpu.memory_space<vmem>> -> memref<1x128xi32, #tpu.memory_space<vmem>>
    %dma_start3A_28 = tpu.memref_squeeze %dma_start3A_27 : memref<1x128xi32, #tpu.memory_space<vmem>> -> memref<128xi32, #tpu.memory_space<vmem>>
    %dma_start3A_29 = arith.constant 0 : i32
    %dma_start3A_30 = arith.constant 0 : i32
    %dma_start3A_31 = tpu.memref_slice %arg3[%dma_start3A_29, %dma_start3A_30] : memref<1000000x64xf32, #tpu.memory_space<hbm>> -> memref<1000000x64xf32, #tpu.memory_space<hbm>>
    tpu.enqueue_indirect_dma source(%dma_start3A_31 : memref<1000000x64xf32, #tpu.memory_space<hbm>>) target(%dma_start3A_25 : memref<128x64xf32, #tpu.memory_space<vmem>>) offsets(%dma_start3A_28 : memref<128xi32, #tpu.memory_space<vmem>>) semaphore(%arg8 : memref<!tpu.dma_semaphore, #tpu.memory_space<semaphore_mem>>)
    %mul3A_32 = arith.constant 4 : i32
    %mul3A_33 = arith.muli %rem3A_18, %mul3A_32 : i32
    %add3A_34 = arith.addi %mul3A_13, %mul3A_33 : i32
    %add3A_35 = arith.constant 1 : i32
    %add3A_36 = arith.addi %add3A_34, %add3A_35 : i32
    %dma_start3A_37 = arith.constant 128 : i32
    %dma_start3A_38 = arith.constant 0 : i32
    %dma_start3A_39 = tpu.memref_slice %arg6[%dma_start3A_37, %dma_start3A_38] : memref<512x64xf32, #tpu.memory_space<vmem>> -> memref<128x64xf32, #tpu.memory_space<vmem>>
    %dma_start3A_40 = arith.constant 0 : i32
    %dma_start3A_41 = tpu.memref_slice %arg5[%add3A_36, %dma_start3A_40] : memref<104x128xi32, #tpu.memory_space<vmem>> -> memref<1x128xi32, #tpu.memory_space<vmem>>
    %dma_start3A_42 = tpu.memref_squeeze %dma_start3A_41 : memref<1x128xi32, #tpu.memory_space<vmem>> -> memref<128xi32, #tpu.memory_space<vmem>>
    %dma_start3A_43 = arith.constant 0 : i32
    %dma_start3A_44 = arith.constant 0 : i32
    %dma_start3A_45 = tpu.memref_slice %arg3[%dma_start3A_43, %dma_start3A_44] : memref<1000000x64xf32, #tpu.memory_space<hbm>> -> memref<1000000x64xf32, #tpu.memory_space<hbm>>
    tpu.enqueue_indirect_dma source(%dma_start3A_45 : memref<1000000x64xf32, #tpu.memory_space<hbm>>) target(%dma_start3A_39 : memref<128x64xf32, #tpu.memory_space<vmem>>) offsets(%dma_start3A_42 : memref<128xi32, #tpu.memory_space<vmem>>) semaphore(%arg8 : memref<!tpu.dma_semaphore, #tpu.memory_space<semaphore_mem>>)
    %mul3A_46 = arith.constant 4 : i32
    %mul3A_47 = arith.muli %rem3A_18, %mul3A_46 : i32
    %add3A_48 = arith.addi %mul3A_13, %mul3A_47 : i32
    %add3A_49 = arith.constant 2 : i32
    %add3A_50 = arith.addi %add3A_48, %add3A_49 : i32
    %dma_start3A_51 = arith.constant 256 : i32
    %dma_start3A_52 = arith.constant 0 : i32
    %dma_start3A_53 = tpu.memref_slice %arg6[%dma_start3A_51, %dma_start3A_52] : memref<512x64xf32, #tpu.memory_space<vmem>> -> memref<128x64xf32, #tpu.memory_space<vmem>>
    %dma_start3A_54 = arith.constant 0 : i32
    %dma_start3A_55 = tpu.memref_slice %arg5[%add3A_50, %dma_start3A_54] : memref<104x128xi32, #tpu.memory_space<vmem>> -> memref<1x128xi32, #tpu.memory_space<vmem>>
    %dma_start3A_56 = tpu.memref_squeeze %dma_start3A_55 : memref<1x128xi32, #tpu.memory_space<vmem>> -> memref<128xi32, #tpu.memory_space<vmem>>
    %dma_start3A_57 = arith.constant 0 : i32
    %dma_start3A_58 = arith.constant 0 : i32
    %dma_start3A_59 = tpu.memref_slice %arg3[%dma_start3A_57, %dma_start3A_58] : memref<1000000x64xf32, #tpu.memory_space<hbm>> -> memref<1000000x64xf32, #tpu.memory_space<hbm>>
    tpu.enqueue_indirect_dma source(%dma_start3A_59 : memref<1000000x64xf32, #tpu.memory_space<hbm>>) target(%dma_start3A_53 : memref<128x64xf32, #tpu.memory_space<vmem>>) offsets(%dma_start3A_56 : memref<128xi32, #tpu.memory_space<vmem>>) semaphore(%arg8 : memref<!tpu.dma_semaphore, #tpu.memory_space<semaphore_mem>>)
    %mul3A_60 = arith.constant 4 : i32
    %mul3A_61 = arith.muli %rem3A_18, %mul3A_60 : i32
    %add3A_62 = arith.addi %mul3A_13, %mul3A_61 : i32
    %add3A_63 = arith.constant 3 : i32
    %add3A_64 = arith.addi %add3A_62, %add3A_63 : i32
    %dma_start3A_65 = arith.constant 384 : i32
    %dma_start3A_66 = arith.constant 0 : i32
    %dma_start3A_67 = tpu.memref_slice %arg6[%dma_start3A_65, %dma_start3A_66] : memref<512x64xf32, #tpu.memory_space<vmem>> -> memref<128x64xf32, #tpu.memory_space<vmem>>
    %dma_start3A_68 = arith.constant 0 : i32
    %dma_start3A_69 = tpu.memref_slice %arg5[%add3A_64, %dma_start3A_68] : memref<104x128xi32, #tpu.memory_space<vmem>> -> memref<1x128xi32, #tpu.memory_space<vmem>>
    %dma_start3A_70 = tpu.memref_squeeze %dma_start3A_69 : memref<1x128xi32, #tpu.memory_space<vmem>> -> memref<128xi32, #tpu.memory_space<vmem>>
    %dma_start3A_71 = arith.constant 0 : i32
    %dma_start3A_72 = arith.constant 0 : i32
    %dma_start3A_73 = tpu.memref_slice %arg3[%dma_start3A_71, %dma_start3A_72] : memref<1000000x64xf32, #tpu.memory_space<hbm>> -> memref<1000000x64xf32, #tpu.memory_space<hbm>>
    tpu.enqueue_indirect_dma source(%dma_start3A_73 : memref<1000000x64xf32, #tpu.memory_space<hbm>>) target(%dma_start3A_67 : memref<128x64xf32, #tpu.memory_space<vmem>>) offsets(%dma_start3A_70 : memref<128xi32, #tpu.memory_space<vmem>>) semaphore(%arg8 : memref<!tpu.dma_semaphore, #tpu.memory_space<semaphore_mem>>)
    %dma_wait3A = arith.constant 0 : i32
    %dma_wait3A_74 = arith.constant 0 : i32
    %dma_wait3A_75 = arith.constant 0 : i32
    %dma_wait3A_76 = tpu.memref_slice %arg6[%dma_wait3A_74, %dma_wait3A_75] : memref<512x64xf32, #tpu.memory_space<vmem>> -> memref<128x64xf32, #tpu.memory_space<vmem>>
    %dma_wait3A_77 = arith.constant 0 : i32
    %dma_wait3A_78 = tpu.memref_slice %arg5[%dma_wait3A, %dma_wait3A_77] : memref<104x128xi32, #tpu.memory_space<vmem>> -> memref<1x128xi32, #tpu.memory_space<vmem>>
    %dma_wait3A_79 = tpu.memref_squeeze %dma_wait3A_78 : memref<1x128xi32, #tpu.memory_space<vmem>> -> memref<128xi32, #tpu.memory_space<vmem>>
    %dma_wait3A_80 = arith.constant 0 : i32
    %dma_wait3A_81 = arith.constant 0 : i32
    %dma_wait3A_82 = tpu.memref_slice %arg3[%dma_wait3A_80, %dma_wait3A_81] : memref<1000000x64xf32, #tpu.memory_space<hbm>> -> memref<1000000x64xf32, #tpu.memory_space<hbm>>
    tpu.wait_indirect_dma semaphore(%arg8 : memref<!tpu.dma_semaphore, #tpu.memory_space<semaphore_mem>>) src(%dma_wait3A_82 : memref<1000000x64xf32, #tpu.memory_space<hbm>>) dst(%dma_wait3A_76 : memref<128x64xf32, #tpu.memory_space<vmem>>)
    %dma_wait3A_83 = arith.constant 1 : i32
    %dma_wait3A_84 = arith.constant 128 : i32
    %dma_wait3A_85 = arith.constant 0 : i32
    %dma_wait3A_86 = tpu.memref_slice %arg6[%dma_wait3A_84, %dma_wait3A_85] : memref<512x64xf32, #tpu.memory_space<vmem>> -> memref<128x64xf32, #tpu.memory_space<vmem>>
    %dma_wait3A_87 = arith.constant 0 : i32
    %dma_wait3A_88 = tpu.memref_slice %arg5[%dma_wait3A_83, %dma_wait3A_87] : memref<104x128xi32, #tpu.memory_space<vmem>> -> memref<1x128xi32, #tpu.memory_space<vmem>>
    %dma_wait3A_89 = tpu.memref_squeeze %dma_wait3A_88 : memref<1x128xi32, #tpu.memory_space<vmem>> -> memref<128xi32, #tpu.memory_space<vmem>>
    %dma_wait3A_90 = arith.constant 0 : i32
    %dma_wait3A_91 = arith.constant 0 : i32
    %dma_wait3A_92 = tpu.memref_slice %arg3[%dma_wait3A_90, %dma_wait3A_91] : memref<1000000x64xf32, #tpu.memory_space<hbm>> -> memref<1000000x64xf32, #tpu.memory_space<hbm>>
    tpu.wait_indirect_dma semaphore(%arg8 : memref<!tpu.dma_semaphore, #tpu.memory_space<semaphore_mem>>) src(%dma_wait3A_92 : memref<1000000x64xf32, #tpu.memory_space<hbm>>) dst(%dma_wait3A_86 : memref<128x64xf32, #tpu.memory_space<vmem>>)
    %dma_wait3A_93 = arith.constant 2 : i32
    %dma_wait3A_94 = arith.constant 256 : i32
    %dma_wait3A_95 = arith.constant 0 : i32
    %dma_wait3A_96 = tpu.memref_slice %arg6[%dma_wait3A_94, %dma_wait3A_95] : memref<512x64xf32, #tpu.memory_space<vmem>> -> memref<128x64xf32, #tpu.memory_space<vmem>>
    %dma_wait3A_97 = arith.constant 0 : i32
    %dma_wait3A_98 = tpu.memref_slice %arg5[%dma_wait3A_93, %dma_wait3A_97] : memref<104x128xi32, #tpu.memory_space<vmem>> -> memref<1x128xi32, #tpu.memory_space<vmem>>
    %dma_wait3A_99 = tpu.memref_squeeze %dma_wait3A_98 : memref<1x128xi32, #tpu.memory_space<vmem>> -> memref<128xi32, #tpu.memory_space<vmem>>
    %dma_wait3A_100 = arith.constant 0 : i32
    %dma_wait3A_101 = arith.constant 0 : i32
    %dma_wait3A_102 = tpu.memref_slice %arg3[%dma_wait3A_100, %dma_wait3A_101] : memref<1000000x64xf32, #tpu.memory_space<hbm>> -> memref<1000000x64xf32, #tpu.memory_space<hbm>>
    tpu.wait_indirect_dma semaphore(%arg8 : memref<!tpu.dma_semaphore, #tpu.memory_space<semaphore_mem>>) src(%dma_wait3A_102 : memref<1000000x64xf32, #tpu.memory_space<hbm>>) dst(%dma_wait3A_96 : memref<128x64xf32, #tpu.memory_space<vmem>>)
    %dma_wait3A_103 = arith.constant 3 : i32
    %dma_wait3A_104 = arith.constant 384 : i32
    %dma_wait3A_105 = arith.constant 0 : i32
    %dma_wait3A_106 = tpu.memref_slice %arg6[%dma_wait3A_104, %dma_wait3A_105] : memref<512x64xf32, #tpu.memory_space<vmem>> -> memref<128x64xf32, #tpu.memory_space<vmem>>
    %dma_wait3A_107 = arith.constant 0 : i32
    %dma_wait3A_108 = tpu.memref_slice %arg5[%dma_wait3A_103, %dma_wait3A_107] : memref<104x128xi32, #tpu.memory_space<vmem>> -> memref<1x128xi32, #tpu.memory_space<vmem>>
    %dma_wait3A_109 = tpu.memref_squeeze %dma_wait3A_108 : memref<1x128xi32, #tpu.memory_space<vmem>> -> memref<128xi32, #tpu.memory_space<vmem>>
    %dma_wait3A_110 = arith.constant 0 : i32
    %dma_wait3A_111 = arith.constant 0 : i32
    %dma_wait3A_112 = tpu.memref_slice %arg3[%dma_wait3A_110, %dma_wait3A_111] : memref<1000000x64xf32, #tpu.memory_space<hbm>> -> memref<1000000x64xf32, #tpu.memory_space<hbm>>
    tpu.wait_indirect_dma semaphore(%arg8 : memref<!tpu.dma_semaphore, #tpu.memory_space<semaphore_mem>>) src(%dma_wait3A_112 : memref<1000000x64xf32, #tpu.memory_space<hbm>>) dst(%dma_wait3A_106 : memref<128x64xf32, #tpu.memory_space<vmem>>)
    %rem3A_113 = arith.constant 1 : i32
    %rem3A_114 = arith.constant 25 : i32
    %rem3A_115 = arith.remsi %rem3A_113, %rem3A_114 : i32
    %mul3A_116 = arith.constant 4 : i32
    %mul3A_117 = arith.muli %rem3A_115, %mul3A_116 : i32
    %add3A_118 = arith.addi %mul3A_13, %mul3A_117 : i32
    %add3A_119 = arith.constant 0 : i32
    %add3A_120 = arith.addi %add3A_118, %add3A_119 : i32
    %dma_start3A_121 = arith.constant 0 : i32
    %dma_start3A_122 = arith.constant 0 : i32
    %dma_start3A_123 = tpu.memref_slice %arg7[%dma_start3A_121, %dma_start3A_122] : memref<512x64xf32, #tpu.memory_space<vmem>> -> memref<128x64xf32, #tpu.memory_space<vmem>>
    %dma_start3A_124 = arith.constant 0 : i32
    %dma_start3A_125 = tpu.memref_slice %arg5[%add3A_120, %dma_start3A_124] : memref<104x128xi32, #tpu.memory_space<vmem>> -> memref<1x128xi32, #tpu.memory_space<vmem>>
    %dma_start3A_126 = tpu.memref_squeeze %dma_start3A_125 : memref<1x128xi32, #tpu.memory_space<vmem>> -> memref<128xi32, #tpu.memory_space<vmem>>
    %dma_start3A_127 = arith.constant 0 : i32
    %dma_start3A_128 = arith.constant 0 : i32
    %dma_start3A_129 = tpu.memref_slice %arg3[%dma_start3A_127, %dma_start3A_128] : memref<1000000x64xf32, #tpu.memory_space<hbm>> -> memref<1000000x64xf32, #tpu.memory_space<hbm>>
    tpu.enqueue_indirect_dma source(%dma_start3A_129 : memref<1000000x64xf32, #tpu.memory_space<hbm>>) target(%dma_start3A_123 : memref<128x64xf32, #tpu.memory_space<vmem>>) offsets(%dma_start3A_126 : memref<128xi32, #tpu.memory_space<vmem>>) semaphore(%arg9 : memref<!tpu.dma_semaphore, #tpu.memory_space<semaphore_mem>>)
    %mul3A_130 = arith.constant 4 : i32
    %mul3A_131 = arith.muli %rem3A_115, %mul3A_130 : i32
    %add3A_132 = arith.addi %mul3A_13, %mul3A_131 : i32
    %add3A_133 = arith.constant 1 : i32
    %add3A_134 = arith.addi %add3A_132, %add3A_133 : i32
    %dma_start3A_135 = arith.constant 128 : i32
    %dma_start3A_136 = arith.constant 0 : i32
    %dma_start3A_137 = tpu.memref_slice %arg7[%dma_start3A_135, %dma_start3A_136] : memref<512x64xf32, #tpu.memory_space<vmem>> -> memref<128x64xf32, #tpu.memory_space<vmem>>
    %dma_start3A_138 = arith.constant 0 : i32
    %dma_start3A_139 = tpu.memref_slice %arg5[%add3A_134, %dma_start3A_138] : memref<104x128xi32, #tpu.memory_space<vmem>> -> memref<1x128xi32, #tpu.memory_space<vmem>>
    %dma_start3A_140 = tpu.memref_squeeze %dma_start3A_139 : memref<1x128xi32, #tpu.memory_space<vmem>> -> memref<128xi32, #tpu.memory_space<vmem>>
    %dma_start3A_141 = arith.constant 0 : i32
    %dma_start3A_142 = arith.constant 0 : i32
    %dma_start3A_143 = tpu.memref_slice %arg3[%dma_start3A_141, %dma_start3A_142] : memref<1000000x64xf32, #tpu.memory_space<hbm>> -> memref<1000000x64xf32, #tpu.memory_space<hbm>>
    tpu.enqueue_indirect_dma source(%dma_start3A_143 : memref<1000000x64xf32, #tpu.memory_space<hbm>>) target(%dma_start3A_137 : memref<128x64xf32, #tpu.memory_space<vmem>>) offsets(%dma_start3A_140 : memref<128xi32, #tpu.memory_space<vmem>>) semaphore(%arg9 : memref<!tpu.dma_semaphore, #tpu.memory_space<semaphore_mem>>)
    %mul3A_144 = arith.constant 4 : i32
    %mul3A_145 = arith.muli %rem3A_115, %mul3A_144 : i32
    %add3A_146 = arith.addi %mul3A_13, %mul3A_145 : i32
    %add3A_147 = arith.constant 2 : i32
    %add3A_148 = arith.addi %add3A_146, %add3A_147 : i32
    %dma_start3A_149 = arith.constant 256 : i32
    %dma_start3A_150 = arith.constant 0 : i32
    %dma_start3A_151 = tpu.memref_slice %arg7[%dma_start3A_149, %dma_start3A_150] : memref<512x64xf32, #tpu.memory_space<vmem>> -> memref<128x64xf32, #tpu.memory_space<vmem>>
    %dma_start3A_152 = arith.constant 0 : i32
    %dma_start3A_153 = tpu.memref_slice %arg5[%add3A_148, %dma_start3A_152] : memref<104x128xi32, #tpu.memory_space<vmem>> -> memref<1x128xi32, #tpu.memory_space<vmem>>
    %dma_start3A_154 = tpu.memref_squeeze %dma_start3A_153 : memref<1x128xi32, #tpu.memory_space<vmem>> -> memref<128xi32, #tpu.memory_space<vmem>>
    %dma_start3A_155 = arith.constant 0 : i32
    %dma_start3A_156 = arith.constant 0 : i32
    %dma_start3A_157 = tpu.memref_slice %arg3[%dma_start3A_155, %dma_start3A_156] : memref<1000000x64xf32, #tpu.memory_space<hbm>> -> memref<1000000x64xf32, #tpu.memory_space<hbm>>
    tpu.enqueue_indirect_dma source(%dma_start3A_157 : memref<1000000x64xf32, #tpu.memory_space<hbm>>) target(%dma_start3A_151 : memref<128x64xf32, #tpu.memory_space<vmem>>) offsets(%dma_start3A_154 : memref<128xi32, #tpu.memory_space<vmem>>) semaphore(%arg9 : memref<!tpu.dma_semaphore, #tpu.memory_space<semaphore_mem>>)
    %mul3A_158 = arith.constant 4 : i32
    %mul3A_159 = arith.muli %rem3A_115, %mul3A_158 : i32
    %add3A_160 = arith.addi %mul3A_13, %mul3A_159 : i32
    %add3A_161 = arith.constant 3 : i32
    %add3A_162 = arith.addi %add3A_160, %add3A_161 : i32
    %dma_start3A_163 = arith.constant 384 : i32
    %dma_start3A_164 = arith.constant 0 : i32
    %dma_start3A_165 = tpu.memref_slice %arg7[%dma_start3A_163, %dma_start3A_164] : memref<512x64xf32, #tpu.memory_space<vmem>> -> memref<128x64xf32, #tpu.memory_space<vmem>>
    %dma_start3A_166 = arith.constant 0 : i32
    %dma_start3A_167 = tpu.memref_slice %arg5[%add3A_162, %dma_start3A_166] : memref<104x128xi32, #tpu.memory_space<vmem>> -> memref<1x128xi32, #tpu.memory_space<vmem>>
    %dma_start3A_168 = tpu.memref_squeeze %dma_start3A_167 : memref<1x128xi32, #tpu.memory_space<vmem>> -> memref<128xi32, #tpu.memory_space<vmem>>
    %dma_start3A_169 = arith.constant 0 : i32
    %dma_start3A_170 = arith.constant 0 : i32
    %dma_start3A_171 = tpu.memref_slice %arg3[%dma_start3A_169, %dma_start3A_170] : memref<1000000x64xf32, #tpu.memory_space<hbm>> -> memref<1000000x64xf32, #tpu.memory_space<hbm>>
    tpu.enqueue_indirect_dma source(%dma_start3A_171 : memref<1000000x64xf32, #tpu.memory_space<hbm>>) target(%dma_start3A_165 : memref<128x64xf32, #tpu.memory_space<vmem>>) offsets(%dma_start3A_168 : memref<128xi32, #tpu.memory_space<vmem>>) semaphore(%arg9 : memref<!tpu.dma_semaphore, #tpu.memory_space<semaphore_mem>>)
    %add3A_172 = arith.constant 0 : i32
    %add3A_173 = arith.addi %mul3A_2, %add3A_172 : i32
    %multiple_of3A_174 = tpu.assume_multiple %add3A_173, 512 : i32
    %dma_start3A_175 = arith.constant 0 : i32
    %dma_start3A_176 = tpu.memref_slice %arg4[%multiple_of3A_174, %dma_start3A_175] : memref<409600x64xf32, #tpu.memory_space<hbm>> -> memref<512x64xf32, #tpu.memory_space<hbm>>
    %dma_start3A_177 = arith.constant 0 : i32
    %dma_start3A_178 = tpu.memref_slice %arg4[%multiple_of3A_174, %dma_start3A_177] : memref<409600x64xf32, #tpu.memory_space<hbm>> -> memref<512x64xf32, #tpu.memory_space<hbm>>
    tpu.enqueue_dma source(%arg6 : memref<512x64xf32, #tpu.memory_space<vmem>>) target(%dma_start3A_178 : memref<512x64xf32, #tpu.memory_space<hbm>>) target_semaphore(%arg10 : memref<!tpu.dma_semaphore, #tpu.memory_space<semaphore_mem>>)
    %scan3A = arith.constant 0 : i32
    %scan3A_179 = arith.constant 0 : i32
    %scan3A_180 = arith.constant 12 : i32
    %scan3A_181 = arith.addi %scan3A_179, %scan3A_180 : i32
    %scan3A_182 = arith.constant 1 : i32
    scf.for %scan3A_231 = %scan3A_179 to %scan3A_181 step %scan3A_182  : i32 {
      %mul3A_232 = arith.constant 2 : i32
      %mul3A_233 = arith.muli %mul3A_232, %scan3A_231 : i32
      %add3A_234 = arith.constant 1 : i32
      %add3A_235 = arith.addi %mul3A_233, %add3A_234 : i32
      %dma_wait3A_236 = arith.constant 0 : i32
      %dma_wait3A_237 = arith.constant 0 : i32
      %dma_wait3A_238 = arith.constant 0 : i32
      %dma_wait3A_239 = tpu.memref_slice %arg7[%dma_wait3A_237, %dma_wait3A_238] : memref<512x64xf32, #tpu.memory_space<vmem>> -> memref<128x64xf32, #tpu.memory_space<vmem>>
      %dma_wait3A_240 = arith.constant 0 : i32
      %dma_wait3A_241 = tpu.memref_slice %arg5[%dma_wait3A_236, %dma_wait3A_240] : memref<104x128xi32, #tpu.memory_space<vmem>> -> memref<1x128xi32, #tpu.memory_space<vmem>>
      %dma_wait3A_242 = tpu.memref_squeeze %dma_wait3A_241 : memref<1x128xi32, #tpu.memory_space<vmem>> -> memref<128xi32, #tpu.memory_space<vmem>>
      %dma_wait3A_243 = arith.constant 0 : i32
      %dma_wait3A_244 = arith.constant 0 : i32
      %dma_wait3A_245 = tpu.memref_slice %arg3[%dma_wait3A_243, %dma_wait3A_244] : memref<1000000x64xf32, #tpu.memory_space<hbm>> -> memref<1000000x64xf32, #tpu.memory_space<hbm>>
      tpu.wait_indirect_dma semaphore(%arg9 : memref<!tpu.dma_semaphore, #tpu.memory_space<semaphore_mem>>) src(%dma_wait3A_245 : memref<1000000x64xf32, #tpu.memory_space<hbm>>) dst(%dma_wait3A_239 : memref<128x64xf32, #tpu.memory_space<vmem>>)
      %dma_wait3A_246 = arith.constant 1 : i32
      %dma_wait3A_247 = arith.constant 128 : i32
      %dma_wait3A_248 = arith.constant 0 : i32
      %dma_wait3A_249 = tpu.memref_slice %arg7[%dma_wait3A_247, %dma_wait3A_248] : memref<512x64xf32, #tpu.memory_space<vmem>> -> memref<128x64xf32, #tpu.memory_space<vmem>>
      %dma_wait3A_250 = arith.constant 0 : i32
      %dma_wait3A_251 = tpu.memref_slice %arg5[%dma_wait3A_246, %dma_wait3A_250] : memref<104x128xi32, #tpu.memory_space<vmem>> -> memref<1x128xi32, #tpu.memory_space<vmem>>
      %dma_wait3A_252 = tpu.memref_squeeze %dma_wait3A_251 : memref<1x128xi32, #tpu.memory_space<vmem>> -> memref<128xi32, #tpu.memory_space<vmem>>
      %dma_wait3A_253 = arith.constant 0 : i32
      %dma_wait3A_254 = arith.constant 0 : i32
      %dma_wait3A_255 = tpu.memref_slice %arg3[%dma_wait3A_253, %dma_wait3A_254] : memref<1000000x64xf32, #tpu.memory_space<hbm>> -> memref<1000000x64xf32, #tpu.memory_space<hbm>>
      tpu.wait_indirect_dma semaphore(%arg9 : memref<!tpu.dma_semaphore, #tpu.memory_space<semaphore_mem>>) src(%dma_wait3A_255 : memref<1000000x64xf32, #tpu.memory_space<hbm>>) dst(%dma_wait3A_249 : memref<128x64xf32, #tpu.memory_space<vmem>>)
      %dma_wait3A_256 = arith.constant 2 : i32
      %dma_wait3A_257 = arith.constant 256 : i32
      %dma_wait3A_258 = arith.constant 0 : i32
      %dma_wait3A_259 = tpu.memref_slice %arg7[%dma_wait3A_257, %dma_wait3A_258] : memref<512x64xf32, #tpu.memory_space<vmem>> -> memref<128x64xf32, #tpu.memory_space<vmem>>
      %dma_wait3A_260 = arith.constant 0 : i32
      %dma_wait3A_261 = tpu.memref_slice %arg5[%dma_wait3A_256, %dma_wait3A_260] : memref<104x128xi32, #tpu.memory_space<vmem>> -> memref<1x128xi32, #tpu.memory_space<vmem>>
      %dma_wait3A_262 = tpu.memref_squeeze %dma_wait3A_261 : memref<1x128xi32, #tpu.memory_space<vmem>> -> memref<128xi32, #tpu.memory_space<vmem>>
      %dma_wait3A_263 = arith.constant 0 : i32
      %dma_wait3A_264 = arith.constant 0 : i32
      %dma_wait3A_265 = tpu.memref_slice %arg3[%dma_wait3A_263, %dma_wait3A_264] : memref<1000000x64xf32, #tpu.memory_space<hbm>> -> memref<1000000x64xf32, #tpu.memory_space<hbm>>
      tpu.wait_indirect_dma semaphore(%arg9 : memref<!tpu.dma_semaphore, #tpu.memory_space<semaphore_mem>>) src(%dma_wait3A_265 : memref<1000000x64xf32, #tpu.memory_space<hbm>>) dst(%dma_wait3A_259 : memref<128x64xf32, #tpu.memory_space<vmem>>)
      %dma_wait3A_266 = arith.constant 3 : i32
      %dma_wait3A_267 = arith.constant 384 : i32
      %dma_wait3A_268 = arith.constant 0 : i32
      %dma_wait3A_269 = tpu.memref_slice %arg7[%dma_wait3A_267, %dma_wait3A_268] : memref<512x64xf32, #tpu.memory_space<vmem>> -> memref<128x64xf32, #tpu.memory_space<vmem>>
      %dma_wait3A_270 = arith.constant 0 : i32
      %dma_wait3A_271 = tpu.memref_slice %arg5[%dma_wait3A_266, %dma_wait3A_270] : memref<104x128xi32, #tpu.memory_space<vmem>> -> memref<1x128xi32, #tpu.memory_space<vmem>>
      %dma_wait3A_272 = tpu.memref_squeeze %dma_wait3A_271 : memref<1x128xi32, #tpu.memory_space<vmem>> -> memref<128xi32, #tpu.memory_space<vmem>>
      %dma_wait3A_273 = arith.constant 0 : i32
      %dma_wait3A_274 = arith.constant 0 : i32
      %dma_wait3A_275 = tpu.memref_slice %arg3[%dma_wait3A_273, %dma_wait3A_274] : memref<1000000x64xf32, #tpu.memory_space<hbm>> -> memref<1000000x64xf32, #tpu.memory_space<hbm>>
      tpu.wait_indirect_dma semaphore(%arg9 : memref<!tpu.dma_semaphore, #tpu.memory_space<semaphore_mem>>) src(%dma_wait3A_275 : memref<1000000x64xf32, #tpu.memory_space<hbm>>) dst(%dma_wait3A_269 : memref<128x64xf32, #tpu.memory_space<vmem>>)
      %sub3A_276 = arith.constant 1 : i32
      %sub3A_277 = arith.subi %add3A_235, %sub3A_276 : i32
      %mul3A_278 = arith.constant 512 : i32
      %mul3A_279 = arith.muli %sub3A_277, %mul3A_278 : i32
      %add3A_280 = arith.addi %mul3A_2, %mul3A_279 : i32
      %multiple_of3A_281 = tpu.assume_multiple %add3A_280, 512 : i32
      %dma_wait3A_282 = arith.constant 0 : i32
      %dma_wait3A_283 = tpu.memref_slice %arg4[%multiple_of3A_281, %dma_wait3A_282] : memref<409600x64xf32, #tpu.memory_space<hbm>> -> memref<512x64xf32, #tpu.memory_space<hbm>>
      %dma_wait3A_284 = arith.constant 0 : i32
      %dma_wait3A_285 = tpu.memref_slice %arg4[%multiple_of3A_281, %dma_wait3A_284] : memref<409600x64xf32, #tpu.memory_space<hbm>> -> memref<512x64xf32, #tpu.memory_space<hbm>>
      tpu.wait_dma2 semaphore(%arg10 : memref<!tpu.dma_semaphore, #tpu.memory_space<semaphore_mem>>) src(%arg6 : memref<512x64xf32, #tpu.memory_space<vmem>>) dst(%dma_wait3A_285 : memref<512x64xf32, #tpu.memory_space<hbm>>)
      %add3A_286 = arith.constant 1 : i32
      %add3A_287 = arith.addi %add3A_235, %add3A_286 : i32
      %rem3A_288 = arith.constant 25 : i32
      %rem3A_289 = arith.remsi %add3A_287, %rem3A_288 : i32
      %mul3A_290 = arith.constant 4 : i32
      %mul3A_291 = arith.muli %rem3A_289, %mul3A_290 : i32
      %add3A_292 = arith.addi %mul3A_13, %mul3A_291 : i32
      %add3A_293 = arith.constant 0 : i32
      %add3A_294 = arith.addi %add3A_292, %add3A_293 : i32
      %dma_start3A_295 = arith.constant 0 : i32
      %dma_start3A_296 = arith.constant 0 : i32
      %dma_start3A_297 = tpu.memref_slice %arg6[%dma_start3A_295, %dma_start3A_296] : memref<512x64xf32, #tpu.memory_space<vmem>> -> memref<128x64xf32, #tpu.memory_space<vmem>>
      %dma_start3A_298 = arith.constant 0 : i32
      %dma_start3A_299 = tpu.memref_slice %arg5[%add3A_294, %dma_start3A_298] : memref<104x128xi32, #tpu.memory_space<vmem>> -> memref<1x128xi32, #tpu.memory_space<vmem>>
      %dma_start3A_300 = tpu.memref_squeeze %dma_start3A_299 : memref<1x128xi32, #tpu.memory_space<vmem>> -> memref<128xi32, #tpu.memory_space<vmem>>
      %dma_start3A_301 = arith.constant 0 : i32
      %dma_start3A_302 = arith.constant 0 : i32
      %dma_start3A_303 = tpu.memref_slice %arg3[%dma_start3A_301, %dma_start3A_302] : memref<1000000x64xf32, #tpu.memory_space<hbm>> -> memref<1000000x64xf32, #tpu.memory_space<hbm>>
      tpu.enqueue_indirect_dma source(%dma_start3A_303 : memref<1000000x64xf32, #tpu.memory_space<hbm>>) target(%dma_start3A_297 : memref<128x64xf32, #tpu.memory_space<vmem>>) offsets(%dma_start3A_300 : memref<128xi32, #tpu.memory_space<vmem>>) semaphore(%arg8 : memref<!tpu.dma_semaphore, #tpu.memory_space<semaphore_mem>>)
      %mul3A_304 = arith.constant 4 : i32
      %mul3A_305 = arith.muli %rem3A_289, %mul3A_304 : i32
      %add3A_306 = arith.addi %mul3A_13, %mul3A_305 : i32
      %add3A_307 = arith.constant 1 : i32
      %add3A_308 = arith.addi %add3A_306, %add3A_307 : i32
      %dma_start3A_309 = arith.constant 128 : i32
      %dma_start3A_310 = arith.constant 0 : i32
      %dma_start3A_311 = tpu.memref_slice %arg6[%dma_start3A_309, %dma_start3A_310] : memref<512x64xf32, #tpu.memory_space<vmem>> -> memref<128x64xf32, #tpu.memory_space<vmem>>
      %dma_start3A_312 = arith.constant 0 : i32
      %dma_start3A_313 = tpu.memref_slice %arg5[%add3A_308, %dma_start3A_312] : memref<104x128xi32, #tpu.memory_space<vmem>> -> memref<1x128xi32, #tpu.memory_space<vmem>>
      %dma_start3A_314 = tpu.memref_squeeze %dma_start3A_313 : memref<1x128xi32, #tpu.memory_space<vmem>> -> memref<128xi32, #tpu.memory_space<vmem>>
      %dma_start3A_315 = arith.constant 0 : i32
      %dma_start3A_316 = arith.constant 0 : i32
      %dma_start3A_317 = tpu.memref_slice %arg3[%dma_start3A_315, %dma_start3A_316] : memref<1000000x64xf32, #tpu.memory_space<hbm>> -> memref<1000000x64xf32, #tpu.memory_space<hbm>>
      tpu.enqueue_indirect_dma source(%dma_start3A_317 : memref<1000000x64xf32, #tpu.memory_space<hbm>>) target(%dma_start3A_311 : memref<128x64xf32, #tpu.memory_space<vmem>>) offsets(%dma_start3A_314 : memref<128xi32, #tpu.memory_space<vmem>>) semaphore(%arg8 : memref<!tpu.dma_semaphore, #tpu.memory_space<semaphore_mem>>)
      %mul3A_318 = arith.constant 4 : i32
      %mul3A_319 = arith.muli %rem3A_289, %mul3A_318 : i32
      %add3A_320 = arith.addi %mul3A_13, %mul3A_319 : i32
      %add3A_321 = arith.constant 2 : i32
      %add3A_322 = arith.addi %add3A_320, %add3A_321 : i32
      %dma_start3A_323 = arith.constant 256 : i32
      %dma_start3A_324 = arith.constant 0 : i32
      %dma_start3A_325 = tpu.memref_slice %arg6[%dma_start3A_323, %dma_start3A_324] : memref<512x64xf32, #tpu.memory_space<vmem>> -> memref<128x64xf32, #tpu.memory_space<vmem>>
      %dma_start3A_326 = arith.constant 0 : i32
      %dma_start3A_327 = tpu.memref_slice %arg5[%add3A_322, %dma_start3A_326] : memref<104x128xi32, #tpu.memory_space<vmem>> -> memref<1x128xi32, #tpu.memory_space<vmem>>
      %dma_start3A_328 = tpu.memref_squeeze %dma_start3A_327 : memref<1x128xi32, #tpu.memory_space<vmem>> -> memref<128xi32, #tpu.memory_space<vmem>>
      %dma_start3A_329 = arith.constant 0 : i32
      %dma_start3A_330 = arith.constant 0 : i32
      %dma_start3A_331 = tpu.memref_slice %arg3[%dma_start3A_329, %dma_start3A_330] : memref<1000000x64xf32, #tpu.memory_space<hbm>> -> memref<1000000x64xf32, #tpu.memory_space<hbm>>
      tpu.enqueue_indirect_dma source(%dma_start3A_331 : memref<1000000x64xf32, #tpu.memory_space<hbm>>) target(%dma_start3A_325 : memref<128x64xf32, #tpu.memory_space<vmem>>) offsets(%dma_start3A_328 : memref<128xi32, #tpu.memory_space<vmem>>) semaphore(%arg8 : memref<!tpu.dma_semaphore, #tpu.memory_space<semaphore_mem>>)
      %mul3A_332 = arith.constant 4 : i32
      %mul3A_333 = arith.muli %rem3A_289, %mul3A_332 : i32
      %add3A_334 = arith.addi %mul3A_13, %mul3A_333 : i32
      %add3A_335 = arith.constant 3 : i32
      %add3A_336 = arith.addi %add3A_334, %add3A_335 : i32
      %dma_start3A_337 = arith.constant 384 : i32
      %dma_start3A_338 = arith.constant 0 : i32
      %dma_start3A_339 = tpu.memref_slice %arg6[%dma_start3A_337, %dma_start3A_338] : memref<512x64xf32, #tpu.memory_space<vmem>> -> memref<128x64xf32, #tpu.memory_space<vmem>>
      %dma_start3A_340 = arith.constant 0 : i32
      %dma_start3A_341 = tpu.memref_slice %arg5[%add3A_336, %dma_start3A_340] : memref<104x128xi32, #tpu.memory_space<vmem>> -> memref<1x128xi32, #tpu.memory_space<vmem>>
      %dma_start3A_342 = tpu.memref_squeeze %dma_start3A_341 : memref<1x128xi32, #tpu.memory_space<vmem>> -> memref<128xi32, #tpu.memory_space<vmem>>
      %dma_start3A_343 = arith.constant 0 : i32
      %dma_start3A_344 = arith.constant 0 : i32
      %dma_start3A_345 = tpu.memref_slice %arg3[%dma_start3A_343, %dma_start3A_344] : memref<1000000x64xf32, #tpu.memory_space<hbm>> -> memref<1000000x64xf32, #tpu.memory_space<hbm>>
      tpu.enqueue_indirect_dma source(%dma_start3A_345 : memref<1000000x64xf32, #tpu.memory_space<hbm>>) target(%dma_start3A_339 : memref<128x64xf32, #tpu.memory_space<vmem>>) offsets(%dma_start3A_342 : memref<128xi32, #tpu.memory_space<vmem>>) semaphore(%arg8 : memref<!tpu.dma_semaphore, #tpu.memory_space<semaphore_mem>>)
      %mul3A_346 = arith.constant 512 : i32
      %mul3A_347 = arith.muli %add3A_235, %mul3A_346 : i32
      %add3A_348 = arith.addi %mul3A_2, %mul3A_347 : i32
      %multiple_of3A_349 = tpu.assume_multiple %add3A_348, 512 : i32
      %dma_start3A_350 = arith.constant 0 : i32
      %dma_start3A_351 = tpu.memref_slice %arg4[%multiple_of3A_349, %dma_start3A_350] : memref<409600x64xf32, #tpu.memory_space<hbm>> -> memref<512x64xf32, #tpu.memory_space<hbm>>
      %dma_start3A_352 = arith.constant 0 : i32
      %dma_start3A_353 = tpu.memref_slice %arg4[%multiple_of3A_349, %dma_start3A_352] : memref<409600x64xf32, #tpu.memory_space<hbm>> -> memref<512x64xf32, #tpu.memory_space<hbm>>
      tpu.enqueue_dma source(%arg7 : memref<512x64xf32, #tpu.memory_space<vmem>>) target(%dma_start3A_353 : memref<512x64xf32, #tpu.memory_space<hbm>>) target_semaphore(%arg11 : memref<!tpu.dma_semaphore, #tpu.memory_space<semaphore_mem>>)
      %dma_wait3A_354 = arith.constant 0 : i32
      %dma_wait3A_355 = arith.constant 0 : i32
      %dma_wait3A_356 = arith.constant 0 : i32
      %dma_wait3A_357 = tpu.memref_slice %arg6[%dma_wait3A_355, %dma_wait3A_356] : memref<512x64xf32, #tpu.memory_space<vmem>> -> memref<128x64xf32, #tpu.memory_space<vmem>>
      %dma_wait3A_358 = arith.constant 0 : i32
      %dma_wait3A_359 = tpu.memref_slice %arg5[%dma_wait3A_354, %dma_wait3A_358] : memref<104x128xi32, #tpu.memory_space<vmem>> -> memref<1x128xi32, #tpu.memory_space<vmem>>
      %dma_wait3A_360 = tpu.memref_squeeze %dma_wait3A_359 : memref<1x128xi32, #tpu.memory_space<vmem>> -> memref<128xi32, #tpu.memory_space<vmem>>
      %dma_wait3A_361 = arith.constant 0 : i32
      %dma_wait3A_362 = arith.constant 0 : i32
      %dma_wait3A_363 = tpu.memref_slice %arg3[%dma_wait3A_361, %dma_wait3A_362] : memref<1000000x64xf32, #tpu.memory_space<hbm>> -> memref<1000000x64xf32, #tpu.memory_space<hbm>>
      tpu.wait_indirect_dma semaphore(%arg8 : memref<!tpu.dma_semaphore, #tpu.memory_space<semaphore_mem>>) src(%dma_wait3A_363 : memref<1000000x64xf32, #tpu.memory_space<hbm>>) dst(%dma_wait3A_357 : memref<128x64xf32, #tpu.memory_space<vmem>>)
      %dma_wait3A_364 = arith.constant 1 : i32
      %dma_wait3A_365 = arith.constant 128 : i32
      %dma_wait3A_366 = arith.constant 0 : i32
      %dma_wait3A_367 = tpu.memref_slice %arg6[%dma_wait3A_365, %dma_wait3A_366] : memref<512x64xf32, #tpu.memory_space<vmem>> -> memref<128x64xf32, #tpu.memory_space<vmem>>
      %dma_wait3A_368 = arith.constant 0 : i32
      %dma_wait3A_369 = tpu.memref_slice %arg5[%dma_wait3A_364, %dma_wait3A_368] : memref<104x128xi32, #tpu.memory_space<vmem>> -> memref<1x128xi32, #tpu.memory_space<vmem>>
      %dma_wait3A_370 = tpu.memref_squeeze %dma_wait3A_369 : memref<1x128xi32, #tpu.memory_space<vmem>> -> memref<128xi32, #tpu.memory_space<vmem>>
      %dma_wait3A_371 = arith.constant 0 : i32
      %dma_wait3A_372 = arith.constant 0 : i32
      %dma_wait3A_373 = tpu.memref_slice %arg3[%dma_wait3A_371, %dma_wait3A_372] : memref<1000000x64xf32, #tpu.memory_space<hbm>> -> memref<1000000x64xf32, #tpu.memory_space<hbm>>
      tpu.wait_indirect_dma semaphore(%arg8 : memref<!tpu.dma_semaphore, #tpu.memory_space<semaphore_mem>>) src(%dma_wait3A_373 : memref<1000000x64xf32, #tpu.memory_space<hbm>>) dst(%dma_wait3A_367 : memref<128x64xf32, #tpu.memory_space<vmem>>)
      %dma_wait3A_374 = arith.constant 2 : i32
      %dma_wait3A_375 = arith.constant 256 : i32
      %dma_wait3A_376 = arith.constant 0 : i32
      %dma_wait3A_377 = tpu.memref_slice %arg6[%dma_wait3A_375, %dma_wait3A_376] : memref<512x64xf32, #tpu.memory_space<vmem>> -> memref<128x64xf32, #tpu.memory_space<vmem>>
      %dma_wait3A_378 = arith.constant 0 : i32
      %dma_wait3A_379 = tpu.memref_slice %arg5[%dma_wait3A_374, %dma_wait3A_378] : memref<104x128xi32, #tpu.memory_space<vmem>> -> memref<1x128xi32, #tpu.memory_space<vmem>>
      %dma_wait3A_380 = tpu.memref_squeeze %dma_wait3A_379 : memref<1x128xi32, #tpu.memory_space<vmem>> -> memref<128xi32, #tpu.memory_space<vmem>>
      %dma_wait3A_381 = arith.constant 0 : i32
      %dma_wait3A_382 = arith.constant 0 : i32
      %dma_wait3A_383 = tpu.memref_slice %arg3[%dma_wait3A_381, %dma_wait3A_382] : memref<1000000x64xf32, #tpu.memory_space<hbm>> -> memref<1000000x64xf32, #tpu.memory_space<hbm>>
      tpu.wait_indirect_dma semaphore(%arg8 : memref<!tpu.dma_semaphore, #tpu.memory_space<semaphore_mem>>) src(%dma_wait3A_383 : memref<1000000x64xf32, #tpu.memory_space<hbm>>) dst(%dma_wait3A_377 : memref<128x64xf32, #tpu.memory_space<vmem>>)
      %dma_wait3A_384 = arith.constant 3 : i32
      %dma_wait3A_385 = arith.constant 384 : i32
      %dma_wait3A_386 = arith.constant 0 : i32
      %dma_wait3A_387 = tpu.memref_slice %arg6[%dma_wait3A_385, %dma_wait3A_386] : memref<512x64xf32, #tpu.memory_space<vmem>> -> memref<128x64xf32, #tpu.memory_space<vmem>>
      %dma_wait3A_388 = arith.constant 0 : i32
      %dma_wait3A_389 = tpu.memref_slice %arg5[%dma_wait3A_384, %dma_wait3A_388] : memref<104x128xi32, #tpu.memory_space<vmem>> -> memref<1x128xi32, #tpu.memory_space<vmem>>
      %dma_wait3A_390 = tpu.memref_squeeze %dma_wait3A_389 : memref<1x128xi32, #tpu.memory_space<vmem>> -> memref<128xi32, #tpu.memory_space<vmem>>
      %dma_wait3A_391 = arith.constant 0 : i32
      %dma_wait3A_392 = arith.constant 0 : i32
      %dma_wait3A_393 = tpu.memref_slice %arg3[%dma_wait3A_391, %dma_wait3A_392] : memref<1000000x64xf32, #tpu.memory_space<hbm>> -> memref<1000000x64xf32, #tpu.memory_space<hbm>>
      tpu.wait_indirect_dma semaphore(%arg8 : memref<!tpu.dma_semaphore, #tpu.memory_space<semaphore_mem>>) src(%dma_wait3A_393 : memref<1000000x64xf32, #tpu.memory_space<hbm>>) dst(%dma_wait3A_387 : memref<128x64xf32, #tpu.memory_space<vmem>>)
      %mul3A_394 = arith.constant 512 : i32
      %mul3A_395 = arith.muli %add3A_235, %mul3A_394 : i32
      %add3A_396 = arith.addi %mul3A_2, %mul3A_395 : i32
      %multiple_of3A_397 = tpu.assume_multiple %add3A_396, 512 : i32
      %dma_wait3A_398 = arith.constant 0 : i32
      %dma_wait3A_399 = tpu.memref_slice %arg4[%multiple_of3A_397, %dma_wait3A_398] : memref<409600x64xf32, #tpu.memory_space<hbm>> -> memref<512x64xf32, #tpu.memory_space<hbm>>
      %dma_wait3A_400 = arith.constant 0 : i32
      %dma_wait3A_401 = tpu.memref_slice %arg4[%multiple_of3A_397, %dma_wait3A_400] : memref<409600x64xf32, #tpu.memory_space<hbm>> -> memref<512x64xf32, #tpu.memory_space<hbm>>
      tpu.wait_dma2 semaphore(%arg11 : memref<!tpu.dma_semaphore, #tpu.memory_space<semaphore_mem>>) src(%arg7 : memref<512x64xf32, #tpu.memory_space<vmem>>) dst(%dma_wait3A_401 : memref<512x64xf32, #tpu.memory_space<hbm>>)
      %add3A_402 = arith.constant 2 : i32
      %add3A_403 = arith.addi %add3A_235, %add3A_402 : i32
      %rem3A_404 = arith.constant 25 : i32
      %rem3A_405 = arith.remsi %add3A_403, %rem3A_404 : i32
      %mul3A_406 = arith.constant 4 : i32
      %mul3A_407 = arith.muli %rem3A_405, %mul3A_406 : i32
      %add3A_408 = arith.addi %mul3A_13, %mul3A_407 : i32
      %add3A_409 = arith.constant 0 : i32
      %add3A_410 = arith.addi %add3A_408, %add3A_409 : i32
      %dma_start3A_411 = arith.constant 0 : i32
      %dma_start3A_412 = arith.constant 0 : i32
      %dma_start3A_413 = tpu.memref_slice %arg7[%dma_start3A_411, %dma_start3A_412] : memref<512x64xf32, #tpu.memory_space<vmem>> -> memref<128x64xf32, #tpu.memory_space<vmem>>
      %dma_start3A_414 = arith.constant 0 : i32
      %dma_start3A_415 = tpu.memref_slice %arg5[%add3A_410, %dma_start3A_414] : memref<104x128xi32, #tpu.memory_space<vmem>> -> memref<1x128xi32, #tpu.memory_space<vmem>>
      %dma_start3A_416 = tpu.memref_squeeze %dma_start3A_415 : memref<1x128xi32, #tpu.memory_space<vmem>> -> memref<128xi32, #tpu.memory_space<vmem>>
      %dma_start3A_417 = arith.constant 0 : i32
      %dma_start3A_418 = arith.constant 0 : i32
      %dma_start3A_419 = tpu.memref_slice %arg3[%dma_start3A_417, %dma_start3A_418] : memref<1000000x64xf32, #tpu.memory_space<hbm>> -> memref<1000000x64xf32, #tpu.memory_space<hbm>>
      tpu.enqueue_indirect_dma source(%dma_start3A_419 : memref<1000000x64xf32, #tpu.memory_space<hbm>>) target(%dma_start3A_413 : memref<128x64xf32, #tpu.memory_space<vmem>>) offsets(%dma_start3A_416 : memref<128xi32, #tpu.memory_space<vmem>>) semaphore(%arg9 : memref<!tpu.dma_semaphore, #tpu.memory_space<semaphore_mem>>)
      %mul3A_420 = arith.constant 4 : i32
      %mul3A_421 = arith.muli %rem3A_405, %mul3A_420 : i32
      %add3A_422 = arith.addi %mul3A_13, %mul3A_421 : i32
      %add3A_423 = arith.constant 1 : i32
      %add3A_424 = arith.addi %add3A_422, %add3A_423 : i32
      %dma_start3A_425 = arith.constant 128 : i32
      %dma_start3A_426 = arith.constant 0 : i32
      %dma_start3A_427 = tpu.memref_slice %arg7[%dma_start3A_425, %dma_start3A_426] : memref<512x64xf32, #tpu.memory_space<vmem>> -> memref<128x64xf32, #tpu.memory_space<vmem>>
      %dma_start3A_428 = arith.constant 0 : i32
      %dma_start3A_429 = tpu.memref_slice %arg5[%add3A_424, %dma_start3A_428] : memref<104x128xi32, #tpu.memory_space<vmem>> -> memref<1x128xi32, #tpu.memory_space<vmem>>
      %dma_start3A_430 = tpu.memref_squeeze %dma_start3A_429 : memref<1x128xi32, #tpu.memory_space<vmem>> -> memref<128xi32, #tpu.memory_space<vmem>>
      %dma_start3A_431 = arith.constant 0 : i32
      %dma_start3A_432 = arith.constant 0 : i32
      %dma_start3A_433 = tpu.memref_slice %arg3[%dma_start3A_431, %dma_start3A_432] : memref<1000000x64xf32, #tpu.memory_space<hbm>> -> memref<1000000x64xf32, #tpu.memory_space<hbm>>
      tpu.enqueue_indirect_dma source(%dma_start3A_433 : memref<1000000x64xf32, #tpu.memory_space<hbm>>) target(%dma_start3A_427 : memref<128x64xf32, #tpu.memory_space<vmem>>) offsets(%dma_start3A_430 : memref<128xi32, #tpu.memory_space<vmem>>) semaphore(%arg9 : memref<!tpu.dma_semaphore, #tpu.memory_space<semaphore_mem>>)
      %mul3A_434 = arith.constant 4 : i32
      %mul3A_435 = arith.muli %rem3A_405, %mul3A_434 : i32
      %add3A_436 = arith.addi %mul3A_13, %mul3A_435 : i32
      %add3A_437 = arith.constant 2 : i32
      %add3A_438 = arith.addi %add3A_436, %add3A_437 : i32
      %dma_start3A_439 = arith.constant 256 : i32
      %dma_start3A_440 = arith.constant 0 : i32
      %dma_start3A_441 = tpu.memref_slice %arg7[%dma_start3A_439, %dma_start3A_440] : memref<512x64xf32, #tpu.memory_space<vmem>> -> memref<128x64xf32, #tpu.memory_space<vmem>>
      %dma_start3A_442 = arith.constant 0 : i32
      %dma_start3A_443 = tpu.memref_slice %arg5[%add3A_438, %dma_start3A_442] : memref<104x128xi32, #tpu.memory_space<vmem>> -> memref<1x128xi32, #tpu.memory_space<vmem>>
      %dma_start3A_444 = tpu.memref_squeeze %dma_start3A_443 : memref<1x128xi32, #tpu.memory_space<vmem>> -> memref<128xi32, #tpu.memory_space<vmem>>
      %dma_start3A_445 = arith.constant 0 : i32
      %dma_start3A_446 = arith.constant 0 : i32
      %dma_start3A_447 = tpu.memref_slice %arg3[%dma_start3A_445, %dma_start3A_446] : memref<1000000x64xf32, #tpu.memory_space<hbm>> -> memref<1000000x64xf32, #tpu.memory_space<hbm>>
      tpu.enqueue_indirect_dma source(%dma_start3A_447 : memref<1000000x64xf32, #tpu.memory_space<hbm>>) target(%dma_start3A_441 : memref<128x64xf32, #tpu.memory_space<vmem>>) offsets(%dma_start3A_444 : memref<128xi32, #tpu.memory_space<vmem>>) semaphore(%arg9 : memref<!tpu.dma_semaphore, #tpu.memory_space<semaphore_mem>>)
      %mul3A_448 = arith.constant 4 : i32
      %mul3A_449 = arith.muli %rem3A_405, %mul3A_448 : i32
      %add3A_450 = arith.addi %mul3A_13, %mul3A_449 : i32
      %add3A_451 = arith.constant 3 : i32
      %add3A_452 = arith.addi %add3A_450, %add3A_451 : i32
      %dma_start3A_453 = arith.constant 384 : i32
      %dma_start3A_454 = arith.constant 0 : i32
      %dma_start3A_455 = tpu.memref_slice %arg7[%dma_start3A_453, %dma_start3A_454] : memref<512x64xf32, #tpu.memory_space<vmem>> -> memref<128x64xf32, #tpu.memory_space<vmem>>
      %dma_start3A_456 = arith.constant 0 : i32
      %dma_start3A_457 = tpu.memref_slice %arg5[%add3A_452, %dma_start3A_456] : memref<104x128xi32, #tpu.memory_space<vmem>> -> memref<1x128xi32, #tpu.memory_space<vmem>>
      %dma_start3A_458 = tpu.memref_squeeze %dma_start3A_457 : memref<1x128xi32, #tpu.memory_space<vmem>> -> memref<128xi32, #tpu.memory_space<vmem>>
      %dma_start3A_459 = arith.constant 0 : i32
      %dma_start3A_460 = arith.constant 0 : i32
      %dma_start3A_461 = tpu.memref_slice %arg3[%dma_start3A_459, %dma_start3A_460] : memref<1000000x64xf32, #tpu.memory_space<hbm>> -> memref<1000000x64xf32, #tpu.memory_space<hbm>>
      tpu.enqueue_indirect_dma source(%dma_start3A_461 : memref<1000000x64xf32, #tpu.memory_space<hbm>>) target(%dma_start3A_455 : memref<128x64xf32, #tpu.memory_space<vmem>>) offsets(%dma_start3A_458 : memref<128xi32, #tpu.memory_space<vmem>>) semaphore(%arg9 : memref<!tpu.dma_semaphore, #tpu.memory_space<semaphore_mem>>)
      %add3A_462 = arith.constant 1 : i32
      %add3A_463 = arith.addi %add3A_235, %add3A_462 : i32
      %mul3A_464 = arith.constant 512 : i32
      %mul3A_465 = arith.muli %add3A_463, %mul3A_464 : i32
      %add3A_466 = arith.addi %mul3A_2, %mul3A_465 : i32
      %multiple_of3A_467 = tpu.assume_multiple %add3A_466, 512 : i32
      %dma_start3A_468 = arith.constant 0 : i32
      %dma_start3A_469 = tpu.memref_slice %arg4[%multiple_of3A_467, %dma_start3A_468] : memref<409600x64xf32, #tpu.memory_space<hbm>> -> memref<512x64xf32, #tpu.memory_space<hbm>>
      %dma_start3A_470 = arith.constant 0 : i32
      %dma_start3A_471 = tpu.memref_slice %arg4[%multiple_of3A_467, %dma_start3A_470] : memref<409600x64xf32, #tpu.memory_space<hbm>> -> memref<512x64xf32, #tpu.memory_space<hbm>>
      tpu.enqueue_dma source(%arg6 : memref<512x64xf32, #tpu.memory_space<vmem>>) target(%dma_start3A_471 : memref<512x64xf32, #tpu.memory_space<hbm>>) target_semaphore(%arg10 : memref<!tpu.dma_semaphore, #tpu.memory_space<semaphore_mem>>)
    }
    %scan3A_183 = arith.constant 12 : i32
    %dma_wait3A_184 = arith.constant 0 : i32
    %dma_wait3A_185 = arith.constant 0 : i32
    %dma_wait3A_186 = arith.constant 0 : i32
    %dma_wait3A_187 = tpu.memref_slice %arg7[%dma_wait3A_185, %dma_wait3A_186] : memref<512x64xf32, #tpu.memory_space<vmem>> -> memref<128x64xf32, #tpu.memory_space<vmem>>
    %dma_wait3A_188 = arith.constant 0 : i32
    %dma_wait3A_189 = tpu.memref_slice %arg5[%dma_wait3A_184, %dma_wait3A_188] : memref<104x128xi32, #tpu.memory_space<vmem>> -> memref<1x128xi32, #tpu.memory_space<vmem>>
    %dma_wait3A_190 = tpu.memref_squeeze %dma_wait3A_189 : memref<1x128xi32, #tpu.memory_space<vmem>> -> memref<128xi32, #tpu.memory_space<vmem>>
    %dma_wait3A_191 = arith.constant 0 : i32
    %dma_wait3A_192 = arith.constant 0 : i32
    %dma_wait3A_193 = tpu.memref_slice %arg3[%dma_wait3A_191, %dma_wait3A_192] : memref<1000000x64xf32, #tpu.memory_space<hbm>> -> memref<1000000x64xf32, #tpu.memory_space<hbm>>
    tpu.wait_indirect_dma semaphore(%arg9 : memref<!tpu.dma_semaphore, #tpu.memory_space<semaphore_mem>>) src(%dma_wait3A_193 : memref<1000000x64xf32, #tpu.memory_space<hbm>>) dst(%dma_wait3A_187 : memref<128x64xf32, #tpu.memory_space<vmem>>)
    %dma_wait3A_194 = arith.constant 1 : i32
    %dma_wait3A_195 = arith.constant 128 : i32
    %dma_wait3A_196 = arith.constant 0 : i32
    %dma_wait3A_197 = tpu.memref_slice %arg7[%dma_wait3A_195, %dma_wait3A_196] : memref<512x64xf32, #tpu.memory_space<vmem>> -> memref<128x64xf32, #tpu.memory_space<vmem>>
    %dma_wait3A_198 = arith.constant 0 : i32
    %dma_wait3A_199 = tpu.memref_slice %arg5[%dma_wait3A_194, %dma_wait3A_198] : memref<104x128xi32, #tpu.memory_space<vmem>> -> memref<1x128xi32, #tpu.memory_space<vmem>>
    %dma_wait3A_200 = tpu.memref_squeeze %dma_wait3A_199 : memref<1x128xi32, #tpu.memory_space<vmem>> -> memref<128xi32, #tpu.memory_space<vmem>>
    %dma_wait3A_201 = arith.constant 0 : i32
    %dma_wait3A_202 = arith.constant 0 : i32
    %dma_wait3A_203 = tpu.memref_slice %arg3[%dma_wait3A_201, %dma_wait3A_202] : memref<1000000x64xf32, #tpu.memory_space<hbm>> -> memref<1000000x64xf32, #tpu.memory_space<hbm>>
    tpu.wait_indirect_dma semaphore(%arg9 : memref<!tpu.dma_semaphore, #tpu.memory_space<semaphore_mem>>) src(%dma_wait3A_203 : memref<1000000x64xf32, #tpu.memory_space<hbm>>) dst(%dma_wait3A_197 : memref<128x64xf32, #tpu.memory_space<vmem>>)
    %dma_wait3A_204 = arith.constant 2 : i32
    %dma_wait3A_205 = arith.constant 256 : i32
    %dma_wait3A_206 = arith.constant 0 : i32
    %dma_wait3A_207 = tpu.memref_slice %arg7[%dma_wait3A_205, %dma_wait3A_206] : memref<512x64xf32, #tpu.memory_space<vmem>> -> memref<128x64xf32, #tpu.memory_space<vmem>>
    %dma_wait3A_208 = arith.constant 0 : i32
    %dma_wait3A_209 = tpu.memref_slice %arg5[%dma_wait3A_204, %dma_wait3A_208] : memref<104x128xi32, #tpu.memory_space<vmem>> -> memref<1x128xi32, #tpu.memory_space<vmem>>
    %dma_wait3A_210 = tpu.memref_squeeze %dma_wait3A_209 : memref<1x128xi32, #tpu.memory_space<vmem>> -> memref<128xi32, #tpu.memory_space<vmem>>
    %dma_wait3A_211 = arith.constant 0 : i32
    %dma_wait3A_212 = arith.constant 0 : i32
    %dma_wait3A_213 = tpu.memref_slice %arg3[%dma_wait3A_211, %dma_wait3A_212] : memref<1000000x64xf32, #tpu.memory_space<hbm>> -> memref<1000000x64xf32, #tpu.memory_space<hbm>>
    tpu.wait_indirect_dma semaphore(%arg9 : memref<!tpu.dma_semaphore, #tpu.memory_space<semaphore_mem>>) src(%dma_wait3A_213 : memref<1000000x64xf32, #tpu.memory_space<hbm>>) dst(%dma_wait3A_207 : memref<128x64xf32, #tpu.memory_space<vmem>>)
    %dma_wait3A_214 = arith.constant 3 : i32
    %dma_wait3A_215 = arith.constant 384 : i32
    %dma_wait3A_216 = arith.constant 0 : i32
    %dma_wait3A_217 = tpu.memref_slice %arg7[%dma_wait3A_215, %dma_wait3A_216] : memref<512x64xf32, #tpu.memory_space<vmem>> -> memref<128x64xf32, #tpu.memory_space<vmem>>
    %dma_wait3A_218 = arith.constant 0 : i32
    %dma_wait3A_219 = tpu.memref_slice %arg5[%dma_wait3A_214, %dma_wait3A_218] : memref<104x128xi32, #tpu.memory_space<vmem>> -> memref<1x128xi32, #tpu.memory_space<vmem>>
    %dma_wait3A_220 = tpu.memref_squeeze %dma_wait3A_219 : memref<1x128xi32, #tpu.memory_space<vmem>> -> memref<128xi32, #tpu.memory_space<vmem>>
    %dma_wait3A_221 = arith.constant 0 : i32
    %dma_wait3A_222 = arith.constant 0 : i32
    %dma_wait3A_223 = tpu.memref_slice %arg3[%dma_wait3A_221, %dma_wait3A_222] : memref<1000000x64xf32, #tpu.memory_space<hbm>> -> memref<1000000x64xf32, #tpu.memory_space<hbm>>
    tpu.wait_indirect_dma semaphore(%arg9 : memref<!tpu.dma_semaphore, #tpu.memory_space<semaphore_mem>>) src(%dma_wait3A_223 : memref<1000000x64xf32, #tpu.memory_space<hbm>>) dst(%dma_wait3A_217 : memref<128x64xf32, #tpu.memory_space<vmem>>)
    %add3A_224 = arith.constant 12288 : i32
    %add3A_225 = arith.addi %mul3A_2, %add3A_224 : i32
    %multiple_of3A_226 = tpu.assume_multiple %add3A_225, 512 : i32
    %dma_wait3A_227 = arith.constant 0 : i32
    %dma_wait3A_228 = tpu.memref_slice %arg4[%multiple_of3A_226, %dma_wait3A_227] : memref<409600x64xf32, #tpu.memory_space<hbm>> -> memref<512x64xf32, #tpu.memory_space<hbm>>
    %dma_wait3A_229 = arith.constant 0 : i32
    %dma_wait3A_230 = tpu.memref_slice %arg4[%multiple_of3A_226, %dma_wait3A_229] : memref<409600x64xf32, #tpu.memory_space<hbm>> -> memref<512x64xf32, #tpu.memory_space<hbm>>
    tpu.wait_dma2 semaphore(%arg10 : memref<!tpu.dma_semaphore, #tpu.memory_space<semaphore_mem>>) src(%arg6 : memref<512x64xf32, #tpu.memory_space<vmem>>) dst(%dma_wait3A_230 : memref<512x64xf32, #tpu.memory_space<hbm>>)
    return
  }
}

</mosaic_0001>

<sc_bundles>
// kernel: kernel.4.cloned.1.call-start
scs
__scs_entry_jumppad:
0x0: {  	(pc) =	sbr.rel $0x88, $3  }
0x1: {  	(tag) =	ssettag $0x0;
	lr =	simm.s32 $0x1  }
0x2: {  	[smem:$0x3F9F] =	sst lr;
	_ =	strace $0xD0000000  }
0x3: {  	_ = 	snop  }
0x4: {  	_ = 	snop  }
0x5: {  	_ = 	snop  }
0x6: {  	_ = 	snop  }
0x7: {  	_ = 	snop  }
__scs_overlays_trampoline_lowered:
0x8: {  	[smem:$0x3FAE] =	sst s0  }
0x9: {  	[smem:$0x3FAF] =	sst s1  }
0xa: {  	[smem:$0x3FB0] =	sst s2  }
0xb: {  	[smem:$0x3FB1] =	sst s3  }
0xc: {  	[smem:$0x3FB2] =	sst s4  }
0xd: {  	[smem:$0x3FB3] =	sst s5  }
0xe: {  	[smem:$0x3FB4] =	sst s6  }
0xf: {  	[smem:$0x3FB5] =	sst s7  }
0x10: {  	[smem:$0x3FB6] =	sst s8  }
0x11: {  	[smem:$0x3FB7] =	sst s9;
	s0 =	simm.s32 @!p0 $0x0  }
0x12: {  	s1 =	sld [smem:$0x3F9D];
	s0 =	simm.s32 @p0 $0x1  }
0x13: {  	[smem:$0x3FB8] =	sst s0;
	s0 =	simm.s32 @!p1 $0x0  }
0x14: {  	s2 =	sld [smem:$0x3F9C];
	s0 =	simm.s32 @p1 $0x1  }
0x15: {  	[smem:$0x3FB9] =	sst s0;
	s0 =	simm.s32 @!p2 $0x0  }
0x16: {  	s3 =	sld [smem:$0x3FDB];
	s0 =	simm.s32 @p2 $0x1  }
0x17: {  	s4 =	simm.s32 $0x1BF5;
	[smem:$0x3FBB] =	sst s0  }
0x18: {  	s0 =	sld [smem:$0x3F9E];
	_ =	swait.ge [sflag:s4], $0x0  }
0x19: {  	s7 =	sld [smem:$0x3F9F]  }
0x1a: {  	s8 =	sadd.s32 $0xFFFFE003, lr  }
0x1b: {  	s9 =	sadd.s32 $0xFFFFFEF7, lr;
	s5 =	simm.s32 $0xFFFFFFFF;
	p2 =	slt.u32 s8, $0xFFFFF086  }
0x1c: {  	p1 =	slt.u32 s9, $0xF7A;
	s5 =	simm.s32 @!p2 $0x0  }
0x1d: {  	s5 =	simm.s32 @p1 $0x1;
	p0 =	seq.s32 s7, s2  }
0x1e: {  	s7 =	smul.u32 @!p0 $0xF7A, s2;
	p2 =	seq.s32 @!p0 s5, $0x0  }
0x1f: {  	s9 =	smul.u32 $0xF7A, s1;
	s8 =	simm.s32 @!p0 $0x1BF5;
	p2 =	por !p2, p0  }
0x20: {  	[sflag:s8] =	ssyncset.s32 @!p0 $0xFFFFF086;
	s6 =	sadd.s32 @!p0 s3, s7;
	s7 =	simm.s32 @!p0 $0x108  }
0x21: {  	s3 =	sadd.s32 s3, s9;
	s6 =	sadd.s32 @!p0 $0x88, s6;
	s7 =	simm.s32 @p2 $0x1082  }
0x22: {  	[simem:s7], [sflag:s8] =	dma.local @!p0 [hbm:s6], $0xF7A  }
0x23: {  	s9 =	sor.u32 $0xD0000000, s2;
	s6 =	simm.s32 $0x108;
	_ =	swait.ge @!p0 [sflag:s8], $0x0  }
0x24: {  	s3 =	sadd.s32 $0x88, s3;
	s6 =	simm.s32 @!p1 $0x1082;
	[sflag:s4] =	ssyncset.s32 $0xFFFFF086  }
0x25: {  	[simem:s6], [sflag:s4] =	dma.local [hbm:s3], $0xF7A  }
0x26: {  	[smem:$0x3F9F] =	sst s1;
	(tag) =	ssettag s2;
	_ =	strace s9  }
0x27: {  	s1 =	sld [smem:$0x3FAF]  }
0x28: {  	s2 =	sld [smem:$0x3FB0]  }
0x29: {  	s4 =	sld [smem:$0x3FB2]  }
0x2a: {  	p0 =	seq.s32 s5, $0x0;
	s5 =	sld [smem:$0x3FB3]  }
0x2b: {  	s6 =	sld [smem:$0x3FB4]  }
0x2c: {  	s7 =	sld [smem:$0x3FB5]  }
0x2d: {  	s3 =	simm.s32 $0x108;
	s8 =	sld [smem:$0x3FB6]  }
0x2e: {  	s3 =	simm.s32 @!p0 $0x1082;
	s9 =	sld [smem:$0x3FB7]  }
0x2f: {  	lr =	sadd.s32 s0, s3;
	s0 =	sld [smem:$0x3FAE]  }
0x30: {  	s3 =	sld [smem:$0x3FB1]  }
0x31: {  	[smem:$0x3FBA] =	sst s10  }
0x32: {  	s10 =	sld [smem:$0x3FB8];
	_ =	sdelay $0x3  }
0x33: {  	p0 =	seq.s32 s10, $0x1;
	s10 =	sld [smem:$0x3FBA];
	_ =	sdelay $0x3  }
0x34: {  	[smem:$0x3FBA] =	sst s10  }
0x35: {  	s10 =	sld [smem:$0x3FB9];
	_ =	sdelay $0x3  }
0x36: {  	p1 =	seq.s32 s10, $0x1;
	s10 =	sld [smem:$0x3FBA];
	_ =	sdelay $0x3  }
0x37: {  	[smem:$0x3FBA] =	sst s10  }
0x38: {  	s10 =	sld [smem:$0x3FBB]  }
0x39: {  	_ = 	snop;
	(pc) =	sbr.ind lr, $3  }
0x3a: {  	_ = 	snop  }
0x3b: {  	_ = 	snop  }
0x3c: {  	p2 =	seq.s32 s10, $0x1;
	s10 =	sld [smem:$0x3FBA]  }
0x3d: {  	_ =	shalt  }
0x3e: {  	_ =	shalt  }
0x3f: {  	_ =	shalt  }
0x40: {  	_ =	shalt  }
0x41: {  	_ =	shalt  }
0x42: {  	_ =	shalt  }
0x43: {  	_ =	shalt  }
0x44: {  	_ =	shalt  }
0x45: {  	_ =	shalt  }
0x46: {  	_ =	shalt  }
0x47: {  	_ =	shalt  }
0x48: {  	_ =	shalt  }
0x49: {  	_ =	shalt  }
0x4a: {  	_ =	shalt  }
0x4b: {  	_ =	shalt  }
0x4c: {  	_ =	shalt  }
0x4d: {  	_ =	shalt  }
0x4e: {  	_ =	shalt  }
0x4f: {  	_ =	shalt  }
0x50: {  	_ =	shalt  }
0x51: {  	_ =	shalt  }
0x52: {  	_ =	shalt  }
0x53: {  	_ =	shalt  }
0x54: {  	_ =	shalt  }
0x55: {  	_ =	shalt  }
0x56: {  	_ =	shalt  }
0x57: {  	_ =	shalt  }
0x58: {  	_ =	shalt  }
0x59: {  	_ =	shalt  }
0x5a: {  	_ =	shalt  }
0x5b: {  	_ =	shalt  }
0x5c: {  	_ =	shalt  }
0x5d: {  	_ =	shalt  }
0x5e: {  	_ =	shalt  }
0x5f: {  	_ =	shalt  }
0x60: {  	_ =	shalt  }
0x61: {  	_ =	shalt  }
0x62: {  	_ =	shalt  }
0x63: {  	_ =	shalt  }
0x64: {  	_ =	shalt  }
0x65: {  	_ =	shalt  }
0x66: {  	_ =	shalt  }
0x67: {  	_ =	shalt  }
0x68: {  	_ =	shalt  }
0x69: {  	_ =	shalt  }
0x6a: {  	_ =	shalt  }
0x6b: {  	_ =	shalt  }
0x6c: {  	_ =	shalt  }
0x6d: {  	_ =	shalt  }
0x6e: {  	_ =	shalt  }
0x6f: {  	_ =	shalt  }
0x70: {  	_ =	shalt  }
0x71: {  	_ =	shalt  }
0x72: {  	_ =	shalt  }
0x73: {  	_ =	shalt  }
0x74: {  	_ =	shalt  }
0x75: {  	_ =	shalt  }
0x76: {  	_ =	shalt  }
0x77: {  	_ =	shalt  }
0x78: {  	_ =	shalt  }
0x79: {  	_ =	shalt  }
0x7a: {  	_ =	shalt  }
0x7b: {  	_ =	shalt  }
0x7c: {  	_ =	shalt  }
0x7d: {  	_ =	shalt  }
0x7e: {  	_ =	shalt  }
0x7f: {  	_ =	shalt  }
0x80: {  	_ =	shalt  }
0x81: {  	_ =	shalt  }
0x82: {  	_ =	shalt  }
0x83: {  	_ =	shalt  }
0x84: {  	_ =	shalt  }
0x85: {  	_ =	shalt  }
0x86: {  	_ =	shalt  }
0x87: {  	_ =	shalt  }
.Lfunc_end0:
.L_simem_size_0:
called_computation.2_lowered:
.L_overlay_start_0:
0x88: {  	s2 =	sld [smem:$0x3FD9]  }
0x89: {  	s3 =	sld [smem:$0x3FFE];
	_ =	sdelay $0x1  }
0x8a: {  	s1 =	srdreg.scid  }
0x8b: {  	s0 =	sand.u32 $0x1, s1  }
0x8c: {  	s17 =	sshll.u32 s0, $0xA;
	s2 =	sadd.s32 s3, s2  }
0x8d: {  	s2 =	sadd.s32 s2, s17  }
0x8e: {  	[smem:$0x3FC6] =	sst s2  }
0x8f: {  	_ = 	snop  }
0x90: {  	s18 =	sld [smem:$0x3FD0];
	(tm) =	ssettm $0x1  }
0x91: {  	s19 =	sld [smem:$0x3FFB];
	_ =	sdelay $0x3  }
0x92: {  	_ =	strace s19  }
0x93: {  	s2 =	sld [smem:$0x3FFC];
	_ =	sdelay $0x3  }
0x94: {  	_ =	strace s2  }
0x95: {  	s2 =	sld [smem:$0x3FFD];
	_ =	sdelay $0x3  }
0x96: {  	_ =	strace s2  }
0x97: {  	_ =	strace $0x8FFFFFFF  }
0x98: {  	s20 =	sld [smem:$0x3FDB];
	_ =	sdelay $0x1  }
0x99: {  	s4 =	simm.s32 $_scs_section_size  }
0x9a: {  	s5 =	simm.s32 $_size__tile_overlayer_lowered;
	s6 =	simm.s32 $_tile_overlayer_lowered  }
0x9b: {  	s7 =	simm.s32 $0x1BFF;
	s21 =	sshll.u32 s6, $0x1;
	s4 =	sadd.s32 s4, s20  }
0x9c: {  	s22 =	simm.s32 $0x0;
	s5 =	sshll.u32 s5, $0x1;
	s6 =	sadd.s32 s21, s4  }
0x9d: {  	[timem:s22], [sflag:s7] =	dma.local [hbm:s6], s5  }
0x9e: {  	_ =	swait.ge [sflag:s7], s5  }
0x9f: {  	s5 =	ssub.s32 $0x0, s5;
	[sflag:s7] =	ssyncset.done $0x0  }
0xa0: {  	[sflag:s7] =	ssyncadd.s32 s5;
	_ =	sdelay $0x1  }
0xa1: {  	s23 =	simm.s32 $0x1B8B  }
0xa2: {  	_ =	swait.ge [sflag:s23], $0x1  }
0xa3: {  	[sflag:s23] =	ssyncset.done $0x0  }
0xa4: {  	[sflag:s23] =	ssyncadd.s32 $0xFFFFFFFF  }
0xa5: {  	s5 =	sld [smem:$0x0]  }
0xa6: {  	s6 =	sand.u32 $0xFFFFFFFE, s1  }
0xa7: {  	p0 =	sne.s32 s1, s6  }
0xa8: {  	s6 =	sshll.u32 @p0 s6, $0xE  }
0xa9: {  	s6 =	sadd.s32 @p0 $0x11B8D, s6;
	s7 =	sshll.u32 @p0 s5, $0x11  }
0xaa: {  	s6 =	sor.u32 @p0 s7, s6  }
0xab: {  	[sflag:s6] =	ssyncadd.remote.s32 @p0 $0x1;
	_ =	sdelay $0x1  }
0xac: {  	s6 =	simm.s32 @p0 $0x1B8D  }
0xad: {  	_ =	swait.eq @p0 [sflag:s6], $0x1  }
0xae: {  	[sflag:s6] =	ssyncadd.s32 @p0 $0xFFFFFFFF  }
0xaf: {  	s7 =	sshll.u32 @!p0 s1, $0xE  }
0xb0: {  	s7 =	sor.u32 @!p0 $0x4000, s7;
	s6 =	simm.s32 @!p0 $0x1B8D  }
0xb1: {  	s5 =	sshll.u32 @!p0 s5, $0x11;
	s7 =	sadd.s32 @!p0 $0x11B8D, s7;
	_ =	swait.eq @!p0 [sflag:s6], $0x1  }
0xb2: {  	s5 =	sor.u32 @!p0 s5, s7;
	[sflag:s6] =	ssyncadd.s32 @!p0 $0xFFFFFFFF  }
0xb3: {  	s25 =	simm.s32 $0x1B8E;
	s24 =	sld [smem:$0x3FFE];
	[sflag:s5] =	ssyncadd.remote.s32 @!p0 $0x1  }
0xb4: {  	s26 =	simm.s32 $execute0_lowered;
	[smem:$0x3FD2] =	sst s25  }
0xb5: {  	s6 =	sshll.u32 s26, $0x1;
	_ =	strace $0x80000049;
	[dreg:$0x1] =	wrdreg $0xFFFFFFFF  }
0xb6: {  	s28 =	simm.s32 $_size_execute0_lowered;
	s4 =	sadd.s32 s4, s6;
	[dreg:$0x0] =	wrdreg $0x0  }
0xb7: {  	s6 =	sshll.u32 s28, $0x1;
	[dreg:$0x2] =	wrdreg s4  }
0xb8: {  	[dreg:$0x3] =	wrdreg s6  }
0xb9: {  	[dreg:$0x4] =	wrdreg $0xC0  }
0xba: {  	_ =	task [dreg:s22], $0x5FFFF  }
0xbb: {  	[dreg:$0x1] =	wrdreg $0xFFFFFFFF  }
0xbc: {  	[dreg:$0x0] =	wrdreg $0x60  }
0xbd: {  	[dreg:$0x2] =	wrdreg s24  }
0xbe: {  	[dreg:$0x3] =	wrdreg s18  }
0xbf: {  	[dreg:$0x4] =	wrdreg $0xA  }
0xc0: {  	_ =	task.clear_ibuf [dreg:s22], $0x5FFFF;
	_ =	strace $0x90000049  }
0xc1: {  	s29 =	simm.s32 $0xA;
	_ =	strace $0x8000004B  }
0xc2: {  	_ =	swait.ge [sflag:s29], $0x1  }
0xc3: {  	[sflag:s29] =	ssyncadd.s32 $0xFFFFFFFF  }
0xc4: {  	_ =	strace $0x9000004B  }
0xc5: {  	_ =	sfence  }
0xc6: {  	s30 =	sld [smem:$0x0];
	_ =	sdelay $0x2  }
0xc7: {  	s31 =	sshll.u32 s1, $0xD;
	s1 =	sshrl.u32 s1, $0x2  }
0xc8: {  	s4 =	sand.u32 $0x4000, s31;
	s1 =	sadd.s32 s1, s30  }
0xc9: {  	s0 =	sor.u32 s4, s0;
	s1 =	sshll.u32 s1, $0x11  }
0xca: {  	s0 =	sor.u32 s1, s0  }
0xcb: {  	s0 =	sadd.s32 $0x8F2B, s0  }
0xcc: {  	[sflag:s0] =	ssyncadd.remote.s32 $0x1  }
0xcd: {  	_ =	sfence.sel $0xFFFF  }
0xce: {  	[dreg:$0x0] =	wrdreg $0xFFFFFFFF;
	(pc) =	sbr.abs _section_cstart, $3  }
0xcf: {  	[dreg:$0x1] =	wrdreg $0xFFFFFFFF  }
0xd0: {  	_ =	task.clear_ibuf [dreg:s22], $0x2FFFF;
	_ =	strace $0x9FFFFFFF  }
0xd1: {  	(tm) =	ssettm $0x7FFFFFFF  }
tec
execute0_lowered:
.L_overlay_start_1:
0x0: {  	(tag) =	ssettag $0x1  }
0x1: {  	s0 =	srdreg.scid  }
0x2: {  	s11 =	stileid.u32;
	s4 =	rddreg [dreg:$0x0]  }
0x3: {  	s2 =	rddreg [dreg:$0x1];
	s3 =	simm.s32 $0x0;
	s28 =	simm.s32 $0x5400  }
0x4: {  	s29 =	simm.s32 $0x7400;
	s30 =	simm.s32 $0x9400;
	s31 =	simm.s32 $0x1  }
0x5: {  	s13 =	simm.s32 $0x4;
	s0 =	sand.u32 $0x1, s0;
	s1 =	sshll.u32 s11, $0x1  }
0x6: {  	[smem:$0x7FF] =	sst s3;
	s21 =	smul.u32 $0x190000, s11;
	s1 =	sor.u32 s0, s1  }
0x7: {  	s11 =	simm.s32 $0x2;
	s15 =	ssub.s32 $0x2, s0;
	s5 =	smul.u32 $0x64, s1  }
0x8: {  	s6 =	sshll.u32 s0, $0x2;
	s7 =	sshrl.u32 s15, $0x1;
	s18 =	smul.u32 $0x19000, s1  }
0x9: {  	_ =	strace $0x8000004A;
	s1 =	smul.u32 $0xC8000, s1;
	s10 =	ssub.s32 s15, s7  }
0xa: {  	s15 =	simm.s32 $0x0;
	s5 =	ssub.s32 s5, s6;
	s6 =	sshll.u32 s0, $0x9  }
0xb: {  	s14 =	sadd.s32 s2, s18;
	s20 =	smax.u32 s10, $0x1;
	s0 =	smul.u32 $0xC8000, s0  }
0xc: {  	s1 =	sshrl.u32 s1, $0x3;
	s16 =	sadd.s32 $0x200, s6;
	[dreg:$0x8] =	wrdreg s20  }
0xd: {  	s10 =	simm.s32 $0x11400;
	s17 =	sadd.s32 $0x280, s6;
	[dreg:$0x4] =	wrdreg s16  }
0xe: {  	s5 =	sshll.u32 s5, $0x4;
	s12 =	sadd.s32 $0x300, s6;
	[dreg:$0x5] =	wrdreg s17  }
0xf: {  	s7 =	sor.u32 $0x80, s6;
	s19 =	sadd.s32 $0x380, s6;
	[dreg:$0x6] =	wrdreg s12  }
0x10: {  	s8 =	sor.u32 $0x100, s6;
	s22 =	sor.u32 $0x3000, s6;
	[dreg:$0x7] =	wrdreg s19  }
0x11: {  	s9 =	sor.u32 $0x180, s6;
	s23 =	sor.u32 $0x3080, s6;
	[dreg:$0x9] =	wrdreg s22  }
0x12: {  	s24 =	sor.u32 $0x3100, s6;
	s25 =	sor.u32 $0x3180, s6;
	[dreg:$0xa] =	wrdreg s23  }
0x13: {  	s1 =	sadd.s32 s2, s1;
	s26 =	sadd.s32 $0x17000, s14;
	[dreg:$0xb] =	wrdreg s24  }
0x14: {  	s5 =	sand.u32 $0x1FFFFF80, s5;
	s16 =	sadd.s32 $0x1000, s14;
	[dreg:$0xc] =	wrdreg s25  }
0x15: {  	s0 =	sadd.s32 s0, s21;
	[dreg:$0xd] =	wrdreg s26;
	s22 =	sadd.s32 $0x18000, s1  }
0x16: {  	s24 =	simm.s32 $0x5;
	s25 =	simm.s32 $0x80;
	s26 =	simm.s32 $0x3400  }
0x17: {  	s1 =	simm.s32 $0xB400;
	s5 =	sadd.s32 s5, s4;
	s4 =	sadd.s32 $0xF43A00, s4  }
0x18: {  	s12 =	simm.s32 $0x3;
	s23 =	sadd.s32 $0x10000, s0;
	s5 =	sadd.s32 $0x32DE00, s5  }
0x19: {  	s0 =	simm.s32 $0xD400;
	[dreg:$0x3] =	wrdreg s5;
	s5 =	simm.s32 $0xF400  }
.LBB2_1:
0x1a: {  	s17 =	rddreg [dreg:$0x3]  }
0x1b: {  	[tilespmem:s3], [sflag:$0x5] =	stream.linear.gather [hbm4b:s17+s3], $0x3400, $0x38;
	[tilespmem:$0x13400] =	vst v63  }
0x1c: {  	_ =	swait.ge [sflag:s24], $0x3400  }
0x1d: {  	[sflag:s24] =	ssyncset.done $0x0  }
0x1e: {  	[sflag:s24] =	ssyncadd.s32 $0xFFFFCC00  }
0x1f: {  	[tilespmem:s26], [sflag:$0x1] =	stream.indirect.gather [hbm4b:s4+s25], $0x40, s6, s25, $0xb8;
	[tilespmem:$0x13400] =	vst v63  }
0x20: {  	_ = 	snop  }
0x21: {  	[tilespmem:s28], [sflag:$0x1] =	stream.indirect.gather [hbm4b:s4+s25], $0x40, s7, s25, $0xb8;
	[tilespmem:$0x13400] =	vst v63  }
0x22: {  	_ = 	snop  }
0x23: {  	[tilespmem:s29], [sflag:$0x1] =	stream.indirect.gather [hbm4b:s4+s25], $0x40, s8, s25, $0xb8;
	[tilespmem:$0x13400] =	vst v63  }
0x24: {  	_ = 	snop  }
0x25: {  	[tilespmem:s30], [sflag:$0x1] =	stream.indirect.gather [hbm4b:s4+s25], $0x40, s9, s25, $0xb8;
	[tilespmem:$0x13400] =	vst v63  }
0x26: {  	_ =	swait.ge [sflag:s31], $0x2000  }
0x27: {  	[sflag:s31] =	ssyncset.done $0x0  }
0x28: {  	[sflag:s31] =	ssyncadd.s32 $0xFFFFE000  }
0x29: {  	_ =	swait.ge [sflag:s31], $0x2000  }
0x2a: {  	[sflag:s31] =	ssyncset.done $0x0  }
0x2b: {  	[sflag:s31] =	ssyncadd.s32 $0xFFFFE000  }
0x2c: {  	_ =	swait.ge [sflag:s31], $0x2000  }
0x2d: {  	[sflag:s31] =	ssyncset.done $0x0  }
0x2e: {  	[sflag:s31] =	ssyncadd.s32 $0xFFFFE000  }
0x2f: {  	_ =	swait.ge [sflag:s31], $0x2000  }
0x30: {  	[sflag:s31] =	ssyncset.done $0x0  }
0x31: {  	s21 =	rddreg [dreg:$0x4];
	[sflag:s31] =	ssyncadd.s32 $0xFFFFE000  }
0x32: {  	[tilespmem:s1], [sflag:$0x2] =	stream.indirect.gather [hbm4b:s4+s25], $0x40, s21, s25, $0xb8;
	[tilespmem:$0x13400] =	vst v63  }
0x33: {  	s18 =	rddreg [dreg:$0x5]  }
0x34: {  	[tilespmem:s0], [sflag:$0x2] =	stream.indirect.gather [hbm4b:s4+s25], $0x40, s18, s25, $0xb8;
	[tilespmem:$0x13400] =	vst v63  }
0x35: {  	s19 =	rddreg [dreg:$0x6]  }
0x36: {  	[tilespmem:s5], [sflag:$0x2] =	stream.indirect.gather [hbm4b:s4+s25], $0x40, s19, s25, $0xb8;
	[tilespmem:$0x13400] =	vst v63  }
0x37: {  	s20 =	rddreg [dreg:$0x7]  }
0x38: {  	[tilespmem:s10], [sflag:$0x2] =	stream.indirect.gather [hbm4b:s4+s25], $0x40, s20, s25, $0xb8;
	[tilespmem:$0x13400] =	vst v63  }
0x39: {  	_ = 	snop  }
0x3a: {  	[hbm4b:s14+s3] =	stream.linear.scatter [tilespmem:s26], [sflag:$0x3], $0x8000, $0x38;
	[tilespmem:$0x13400] =	vst v63  }
0x3b: {  	_ =	swait.ge [sflag:s11], $0x2000  }
0x3c: {  	[sflag:s11] =	ssyncset.done $0x0  }
0x3d: {  	[sflag:s11] =	ssyncadd.s32 $0xFFFFE000  }
0x3e: {  	_ =	swait.ge [sflag:s11], $0x2000  }
0x3f: {  	[sflag:s11] =	ssyncset.done $0x0  }
0x40: {  	[sflag:s11] =	ssyncadd.s32 $0xFFFFE000  }
0x41: {  	_ =	swait.ge [sflag:s11], $0x2000  }
0x42: {  	[sflag:s11] =	ssyncset.done $0x0  }
0x43: {  	[sflag:s11] =	ssyncadd.s32 $0xFFFFE000  }
0x44: {  	_ =	swait.ge [sflag:s11], $0x2000  }
0x45: {  	[sflag:s11] =	ssyncset.done $0x0  }
0x46: {  	[sflag:s11] =	ssyncadd.s32 $0xFFFFE000  }
0x47: {  	_ =	swait.ge [sflag:s12], $0x8000  }
0x48: {  	s17 =	sadd.s32 $0x0, s6;
	[sflag:s12] =	ssyncset.done $0x0  }
0x49: {  	s18 =	sadd.s32 $0x400, s17;
	[sflag:s12] =	ssyncadd.s32 $0xFFFF8000  }
0x4a: {  	[tilespmem:s26], [sflag:$0x1] =	stream.indirect.gather [hbm4b:s4+s25], $0x40, s18, s25, $0xb8;
	[tilespmem:$0x13400] =	vst v63  }
0x4b: {  	s21 =	sadd.s32 $0x480, s17  }
0x4c: {  	[tilespmem:s28], [sflag:$0x1] =	stream.indirect.gather [hbm4b:s4+s25], $0x40, s21, s25, $0xb8;
	[tilespmem:$0x13400] =	vst v63  }
0x4d: {  	s19 =	sadd.s32 $0x500, s17  }
0x4e: {  	[tilespmem:s29], [sflag:$0x1] =	stream.indirect.gather [hbm4b:s4+s25], $0x40, s19, s25, $0xb8;
	[tilespmem:$0x13400] =	vst v63  }
0x4f: {  	s20 =	sadd.s32 $0x580, s17  }
0x50: {  	[tilespmem:s30], [sflag:$0x1] =	stream.indirect.gather [hbm4b:s4+s25], $0x40, s20, s25, $0xb8;
	[tilespmem:$0x13400] =	vst v63  }
0x51: {  	_ = 	snop  }
0x52: {  	[hbm4b:s16+s3] =	stream.linear.scatter [tilespmem:s1], [sflag:$0x4], $0x8000, $0x38;
	[tilespmem:$0x13400] =	vst v63  }
0x53: {  	_ =	swait.ge [sflag:s31], $0x2000  }
0x54: {  	[sflag:s31] =	ssyncset.done $0x0  }
0x55: {  	[sflag:s31] =	ssyncadd.s32 $0xFFFFE000  }
0x56: {  	_ =	swait.ge [sflag:s31], $0x2000  }
0x57: {  	[sflag:s31] =	ssyncset.done $0x0  }
0x58: {  	[sflag:s31] =	ssyncadd.s32 $0xFFFFE000  }
0x59: {  	_ =	swait.ge [sflag:s31], $0x2000  }
0x5a: {  	[sflag:s31] =	ssyncset.done $0x0  }
0x5b: {  	[sflag:s31] =	ssyncadd.s32 $0xFFFFE000  }
0x5c: {  	_ =	swait.ge [sflag:s31], $0x2000  }
0x5d: {  	[sflag:s31] =	ssyncset.done $0x0  }
0x5e: {  	[sflag:s31] =	ssyncadd.s32 $0xFFFFE000  }
0x5f: {  	_ =	swait.ge [sflag:s13], $0x8000  }
0x60: {  	[sflag:s13] =	ssyncset.done $0x0  }
0x61: {  	s21 =	sadd.s32 $0x600, s17;
	[sflag:s13] =	ssyncadd.s32 $0xFFFF8000  }
0x62: {  	[tilespmem:s1], [sflag:$0x2] =	stream.indirect.gather [hbm4b:s4+s25], $0x40, s21, s25, $0xb8;
	[tilespmem:$0x13400] =	vst v63  }
0x63: {  	s19 =	sadd.s32 $0x680, s17  }
0x64: {  	[tilespmem:s0], [sflag:$0x2] =	stream.indirect.gather [hbm4b:s4+s25], $0x40, s19, s25, $0xb8;
	[tilespmem:$0x13400] =	vst v63  }
0x65: {  	s20 =	sadd.s32 $0x700, s17  }
0x66: {  	[tilespmem:s5], [sflag:$0x2] =	stream.indirect.gather [hbm4b:s4+s25], $0x40, s20, s25, $0xb8;
	[tilespmem:$0x13400] =	vst v63  }
0x67: {  	s18 =	sadd.s32 $0x2000, s16;
	s17 =	sadd.s32 $0x780, s17;
	s21 =	sshrl.u32 s23, $0x3  }
0x68: {  	[tilespmem:s10], [sflag:$0x2] =	stream.indirect.gather [hbm4b:s4+s25], $0x40, s17, s25, $0xb8;
	[tilespmem:$0x13400] =	vst v63  }
0x69: {  	s19 =	sadd.s32 $0x10000, s23;
	s20 =	sadd.s32 s2, s21;
	s17 =	simm.s32 $0x1000  }
.LBB2_2:
0x6a: {  	[hbm4b:s20+s3] =	stream.linear.scatter [tilespmem:s26], [sflag:$0x3], $0x8000, $0x38;
	[tilespmem:$0x13400] =	vst v63  }
0x6b: {  	s20 =	smov.u32 s17  }
0x6c: {  	p0 =	sne.s32 s17, $0xA000;
	s17 =	sadd.s32 $0x1000, s17;
	_ =	swait.ge [sflag:s11], $0x2000  }
0x6d: {  	[sflag:s11] =	ssyncset.done $0x0  }
0x6e: {  	[sflag:s11] =	ssyncadd.s32 $0xFFFFE000  }
0x6f: {  	_ =	swait.ge [sflag:s11], $0x2000  }
0x70: {  	[sflag:s11] =	ssyncset.done $0x0  }
0x71: {  	[sflag:s11] =	ssyncadd.s32 $0xFFFFE000  }
0x72: {  	_ =	swait.ge [sflag:s11], $0x2000  }
0x73: {  	[sflag:s11] =	ssyncset.done $0x0  }
0x74: {  	[sflag:s11] =	ssyncadd.s32 $0xFFFFE000  }
0x75: {  	_ =	swait.ge [sflag:s11], $0x2000  }
0x76: {  	[sflag:s11] =	ssyncset.done $0x0  }
0x77: {  	[sflag:s11] =	ssyncadd.s32 $0xFFFFE000  }
0x78: {  	s20 =	sshra.s32 s20, $0x2;
	_ =	swait.ge [sflag:s12], $0x8000  }
0x79: {  	s20 =	sadd.s32 s20, s6;
	[sflag:s12] =	ssyncset.done $0x0  }
0x7a: {  	s21 =	sadd.s32 $0x400, s20;
	[sflag:s12] =	ssyncadd.s32 $0xFFFF8000  }
0x7b: {  	[tilespmem:s26], [sflag:$0x1] =	stream.indirect.gather [hbm4b:s4+s25], $0x40, s21, s25, $0xb8;
	[tilespmem:$0x13400] =	vst v63  }
0x7c: {  	s21 =	sadd.s32 $0x480, s20  }
0x7d: {  	[tilespmem:s28], [sflag:$0x1] =	stream.indirect.gather [hbm4b:s4+s25], $0x40, s21, s25, $0xb8;
	[tilespmem:$0x13400] =	vst v63  }
0x7e: {  	s21 =	sadd.s32 $0x500, s20  }
0x7f: {  	[tilespmem:s29], [sflag:$0x1] =	stream.indirect.gather [hbm4b:s4+s25], $0x40, s21, s25, $0xb8;
	[tilespmem:$0x13400] =	vst v63  }
0x80: {  	s21 =	sadd.s32 $0x580, s20  }
0x81: {  	[tilespmem:s30], [sflag:$0x1] =	stream.indirect.gather [hbm4b:s4+s25], $0x40, s21, s25, $0xb8;
	[tilespmem:$0x13400] =	vst v63  }
0x82: {  	_ = 	snop  }
0x83: {  	[hbm4b:s18+s3] =	stream.linear.scatter [tilespmem:s1], [sflag:$0x4], $0x8000, $0x38;
	[tilespmem:$0x13400] =	vst v63  }
0x84: {  	_ =	swait.ge [sflag:s31], $0x2000  }
0x85: {  	[sflag:s31] =	ssyncset.done $0x0  }
0x86: {  	[sflag:s31] =	ssyncadd.s32 $0xFFFFE000  }
0x87: {  	_ =	swait.ge [sflag:s31], $0x2000  }
0x88: {  	[sflag:s31] =	ssyncset.done $0x0  }
0x89: {  	[sflag:s31] =	ssyncadd.s32 $0xFFFFE000  }
0x8a: {  	_ =	swait.ge [sflag:s31], $0x2000  }
0x8b: {  	[sflag:s31] =	ssyncset.done $0x0  }
0x8c: {  	[sflag:s31] =	ssyncadd.s32 $0xFFFFE000  }
0x8d: {  	_ =	swait.ge [sflag:s31], $0x2000  }
0x8e: {  	[sflag:s31] =	ssyncset.done $0x0  }
0x8f: {  	[sflag:s31] =	ssyncadd.s32 $0xFFFFE000  }
0x90: {  	_ =	swait.ge [sflag:s13], $0x8000  }
0x91: {  	[sflag:s13] =	ssyncset.done $0x0  }
0x92: {  	s21 =	sadd.s32 $0x600, s20;
	[sflag:s13] =	ssyncadd.s32 $0xFFFF8000  }
0x93: {  	[tilespmem:s1], [sflag:$0x2] =	stream.indirect.gather [hbm4b:s4+s25], $0x40, s21, s25, $0xb8;
	[tilespmem:$0x13400] =	vst v63  }
0x94: {  	s21 =	sadd.s32 $0x680, s20  }
0x95: {  	[tilespmem:s0], [sflag:$0x2] =	stream.indirect.gather [hbm4b:s4+s25], $0x40, s21, s25, $0xb8;
	[tilespmem:$0x13400] =	vst v63  }
.Ltmp0:
0x96: {  	s21 =	sadd.s32 $0x700, s20;
	(pc) =	sbr.rel @p0 .LBB2_2-.Ltmp0, $4  }
0x97: {  	[tilespmem:s5], [sflag:$0x2] =	stream.indirect.gather [hbm4b:s4+s25], $0x40, s21, s25, $0xb8;
	[tilespmem:$0x13400] =	vst v63  }
0x98: {  	s20 =	sadd.s32 $0x780, s20;
	s21 =	sshrl.u32 s19, $0x3  }
0x99: {  	[tilespmem:s10], [sflag:$0x2] =	stream.indirect.gather [hbm4b:s4+s25], $0x40, s20, s25, $0xb8;
	[tilespmem:$0x13400] =	vst v63  }
0x9a: {  	s18 =	sadd.s32 $0x2000, s18;
	s19 =	sadd.s32 $0x10000, s19;
	s20 =	sadd.s32 s2, s21  }
0x9b: {  	[hbm4b:s20+s3] =	stream.linear.scatter [tilespmem:s26], [sflag:$0x3], $0x8000, $0x38;
	[tilespmem:$0x13400] =	vst v63  }
0x9c: {  	_ =	swait.ge [sflag:s11], $0x2000  }
0x9d: {  	[sflag:s11] =	ssyncset.done $0x0  }
0x9e: {  	[sflag:s11] =	ssyncadd.s32 $0xFFFFE000  }
0x9f: {  	_ =	swait.ge [sflag:s11], $0x2000  }
0xa0: {  	[sflag:s11] =	ssyncset.done $0x0  }
0xa1: {  	[sflag:s11] =	ssyncadd.s32 $0xFFFFE000  }
0xa2: {  	_ =	swait.ge [sflag:s11], $0x2000  }
0xa3: {  	[sflag:s11] =	ssyncset.done $0x0  }
0xa4: {  	[sflag:s11] =	ssyncadd.s32 $0xFFFFE000  }
0xa5: {  	_ =	swait.ge [sflag:s11], $0x2000  }
0xa6: {  	[sflag:s11] =	ssyncset.done $0x0  }
0xa7: {  	[sflag:s11] =	ssyncadd.s32 $0xFFFFE000  }
0xa8: {  	_ =	swait.ge [sflag:s12], $0x8000  }
0xa9: {  	[sflag:s12] =	ssyncset.done $0x0  }
0xaa: {  	s17 =	rddreg [dreg:$0x9];
	[sflag:s12] =	ssyncadd.s32 $0xFFFF8000  }
0xab: {  	[tilespmem:s26], [sflag:$0x1] =	stream.indirect.gather [hbm4b:s4+s25], $0x40, s17, s25, $0xb8;
	[tilespmem:$0x13400] =	vst v63  }
0xac: {  	s21 =	rddreg [dreg:$0xa]  }
0xad: {  	[tilespmem:s28], [sflag:$0x1] =	stream.indirect.gather [hbm4b:s4+s25], $0x40, s21, s25, $0xb8;
	[tilespmem:$0x13400] =	vst v63  }
0xae: {  	s18 =	rddreg [dreg:$0xb]  }
0xaf: {  	[tilespmem:s29], [sflag:$0x1] =	stream.indirect.gather [hbm4b:s4+s25], $0x40, s18, s25, $0xb8;
	[tilespmem:$0x13400] =	vst v63  }
0xb0: {  	s19 =	rddreg [dreg:$0xc]  }
0xb1: {  	[tilespmem:s30], [sflag:$0x1] =	stream.indirect.gather [hbm4b:s4+s25], $0x40, s19, s25, $0xb8;
	[tilespmem:$0x13400] =	vst v63  }
0xb2: {  	s20 =	rddreg [dreg:$0xd]  }
0xb3: {  	[hbm4b:s20+s3] =	stream.linear.scatter [tilespmem:s1], [sflag:$0x4], $0x8000, $0x38;
	[tilespmem:$0x13400] =	vst v63  }
0xb4: {  	_ =	swait.ge [sflag:s31], $0x2000  }
0xb5: {  	[sflag:s31] =	ssyncset.done $0x0  }
0xb6: {  	[sflag:s31] =	ssyncadd.s32 $0xFFFFE000  }
0xb7: {  	_ =	swait.ge [sflag:s31], $0x2000  }
0xb8: {  	[sflag:s31] =	ssyncset.done $0x0  }
0xb9: {  	[sflag:s31] =	ssyncadd.s32 $0xFFFFE000  }
0xba: {  	_ =	swait.ge [sflag:s31], $0x2000  }
0xbb: {  	[sflag:s31] =	ssyncset.done $0x0  }
0xbc: {  	[sflag:s31] =	ssyncadd.s32 $0xFFFFE000  }
0xbd: {  	_ =	swait.ge [sflag:s31], $0x2000  }
0xbe: {  	[sflag:s31] =	ssyncset.done $0x0  }
0xbf: {  	[sflag:s31] =	ssyncadd.s32 $0xFFFFE000  }
0xc0: {  	_ =	swait.ge [sflag:s13], $0x8000  }
0xc1: {  	[sflag:s13] =	ssyncset.done $0x0  }
0xc2: {  	[sflag:s13] =	ssyncadd.s32 $0xFFFF8000  }
0xc3: {  	[tilespmem:s1], [sflag:$0x2] =	stream.indirect.gather [hbm4b:s4+s25], $0x40, s6, s25, $0xb8;
	[tilespmem:$0x13400] =	vst v63  }
0xc4: {  	_ = 	snop  }
0xc5: {  	[tilespmem:s0], [sflag:$0x2] =	stream.indirect.gather [hbm4b:s4+s25], $0x40, s7, s25, $0xb8;
	[tilespmem:$0x13400] =	vst v63  }
0xc6: {  	_ = 	snop  }
0xc7: {  	[tilespmem:s5], [sflag:$0x2] =	stream.indirect.gather [hbm4b:s4+s25], $0x40, s8, s25, $0xb8;
	[tilespmem:$0x13400] =	vst v63  }
0xc8: {  	_ = 	snop  }
0xc9: {  	[tilespmem:s10], [sflag:$0x2] =	stream.indirect.gather [hbm4b:s4+s25], $0x40, s9, s25, $0xb8;
	[tilespmem:$0x13400] =	vst v63  }
0xca: {  	_ = 	snop  }
0xcb: {  	[hbm4b:s22+s3] =	stream.linear.scatter [tilespmem:s26], [sflag:$0x3], $0x8000, $0x38;
	[tilespmem:$0x13400] =	vst v63  }
0xcc: {  	_ =	swait.ge [sflag:s11], $0x2000  }
0xcd: {  	[sflag:s11] =	ssyncset.done $0x0  }
0xce: {  	[sflag:s11] =	ssyncadd.s32 $0xFFFFE000  }
0xcf: {  	_ =	swait.ge [sflag:s11], $0x2000  }
0xd0: {  	[sflag:s11] =	ssyncset.done $0x0  }
0xd1: {  	[sflag:s11] =	ssyncadd.s32 $0xFFFFE000  }
0xd2: {  	_ =	swait.ge [sflag:s11], $0x2000  }
0xd3: {  	[sflag:s11] =	ssyncset.done $0x0  }
0xd4: {  	[sflag:s11] =	ssyncadd.s32 $0xFFFFE000  }
0xd5: {  	_ =	swait.ge [sflag:s11], $0x2000  }
0xd6: {  	[sflag:s11] =	ssyncset.done $0x0  }
0xd7: {  	[sflag:s11] =	ssyncadd.s32 $0xFFFFE000  }
0xd8: {  	_ =	swait.ge [sflag:s12], $0x8000  }
0xd9: {  	s15 =	sadd.s32 $0x1, s15;
	s21 =	rddreg [dreg:$0x8]  }
0xda: {  	p0 =	sne.s32 s15, s21  }
.Ltmp1:
0xdb: {  	_ = 	snop;
	(pc) =	sbr.rel @p0 .LBB2_1-.Ltmp1, $3  }
0xdc: {  	_ =	sdelay $0x1  }
0xdd: {  	[sflag:s12] =	ssyncset.done $0x0  }
0xde: {  	[sflag:s12] =	ssyncadd.s32 $0xFFFF8000  }
0xdf: {  	_ =	sfence.sel $0x180000  }
0xe0: {  	[bflag:$0x0] =	sbarrier.arrive $0xFFFF  }
0xe1: {  	_ =	strace $0x9000004A  }
0xe2: {  	s0 =	stileid.u32;
	[bflag:$0x2] =	sbarrier.arrive $0xFFFF  }
0xe3: {  	p0 =	sne.s32 s0, $0x0;
	s0 =	rddreg [dreg:$0x2]  }
0xe4: {  	s0 =	sadd.s32 @!p0 $0x100000, s0  }
0xe5: {  	[sflag:s0] =	ssyncadd.tile.s32 @!p0 $0x1;
	_ =	shalt  }
.Lfunc_end2:
_tile_overlayer_lowered:
.L_overlay_start_2:
0xe6: {  	(tag) =	ssettag $0x2  }
0xe7: {  	s0 =	rddreg [dreg:$0x0];
	s2 =	stileid.u32  }
0xe8: {  	s1 =	rddreg [dreg:$0x1];
	p0 =	sne.s32 s2, $0x0  }
0xe9: {  	s3 =	rddreg [dreg:$0x2];
	[bflag:$0x3] =	sbarrier.arrive $0xFFFF;
	s2 =	simm.s32 @!p0 $0x1C05  }
0xea: {  	[timem:s3], [sflag:s2] =	dma.local @!p0 [hbm:s0], s1  }
0xeb: {  	s0 =	simm.s32 @!p0 $0x5  }
0xec: {  	_ =	swait.ge @!p0 [sflag:s0], s1  }
0xed: {  	s1 =	ssub.s32 @!p0 $0x0, s1;
	[sflag:s0] =	ssyncset.done @!p0 $0x0  }
0xee: {  	[sflag:s0] =	ssyncadd.s32 @!p0 s1  }
0xef: {  	[bflag:$0x3] =	sbarrier.arrive $0xFFFF  }
0xf0: {  	_ =	shalt  }

// kernel: kernel.7.cloned.1.call-start
scs
__scs_entry_jumppad:
0x0: {  	(pc) =	sbr.rel $0x88, $3  }
0x1: {  	(tag) =	ssettag $0x0;
	lr =	simm.s32 $0x1  }
0x2: {  	[smem:$0x3F9F] =	sst lr;
	_ =	strace $0xD0000000  }
0x3: {  	_ = 	snop  }
0x4: {  	_ = 	snop  }
0x5: {  	_ = 	snop  }
0x6: {  	_ = 	snop  }
0x7: {  	_ = 	snop  }
__scs_overlays_trampoline_lowered:
0x8: {  	[smem:$0x3FAE] =	sst s0  }
0x9: {  	[smem:$0x3FAF] =	sst s1  }
0xa: {  	[smem:$0x3FB0] =	sst s2  }
0xb: {  	[smem:$0x3FB1] =	sst s3  }
0xc: {  	[smem:$0x3FB2] =	sst s4  }
0xd: {  	[smem:$0x3FB3] =	sst s5  }
0xe: {  	[smem:$0x3FB4] =	sst s6  }
0xf: {  	[smem:$0x3FB5] =	sst s7  }
0x10: {  	[smem:$0x3FB6] =	sst s8  }
0x11: {  	[smem:$0x3FB7] =	sst s9;
	s0 =	simm.s32 @!p0 $0x0  }
0x12: {  	s1 =	sld [smem:$0x3F9D];
	s0 =	simm.s32 @p0 $0x1  }
0x13: {  	[smem:$0x3FB8] =	sst s0;
	s0 =	simm.s32 @!p1 $0x0  }
0x14: {  	s2 =	sld [smem:$0x3F9C];
	s0 =	simm.s32 @p1 $0x1  }
0x15: {  	[smem:$0x3FB9] =	sst s0;
	s0 =	simm.s32 @!p2 $0x0  }
0x16: {  	s3 =	sld [smem:$0x3FDB];
	s0 =	simm.s32 @p2 $0x1  }
0x17: {  	s4 =	simm.s32 $0x1BF5;
	[smem:$0x3FBB] =	sst s0  }
0x18: {  	s0 =	sld [smem:$0x3F9E];
	_ =	swait.ge [sflag:s4], $0x0  }
0x19: {  	s7 =	sld [smem:$0x3F9F]  }
0x1a: {  	s8 =	sadd.s32 $0xFFFFE003, lr  }
0x1b: {  	s9 =	sadd.s32 $0xFFFFFEF7, lr;
	s5 =	simm.s32 $0xFFFFFFFF;
	p2 =	slt.u32 s8, $0xFFFFF086  }
0x1c: {  	p1 =	slt.u32 s9, $0xF7A;
	s5 =	simm.s32 @!p2 $0x0  }
0x1d: {  	s5 =	simm.s32 @p1 $0x1;
	p0 =	seq.s32 s7, s2  }
0x1e: {  	s7 =	smul.u32 @!p0 $0xF7A, s2;
	p2 =	seq.s32 @!p0 s5, $0x0  }
0x1f: {  	s9 =	smul.u32 $0xF7A, s1;
	s8 =	simm.s32 @!p0 $0x1BF5;
	p2 =	por !p2, p0  }
0x20: {  	[sflag:s8] =	ssyncset.s32 @!p0 $0xFFFFF086;
	s6 =	sadd.s32 @!p0 s3, s7;
	s7 =	simm.s32 @!p0 $0x108  }
0x21: {  	s3 =	sadd.s32 s3, s9;
	s6 =	sadd.s32 @!p0 $0x88, s6;
	s7 =	simm.s32 @p2 $0x1082  }
0x22: {  	[simem:s7], [sflag:s8] =	dma.local @!p0 [hbm:s6], $0xF7A  }
0x23: {  	s9 =	sor.u32 $0xD0000000, s2;
	s6 =	simm.s32 $0x108;
	_ =	swait.ge @!p0 [sflag:s8], $0x0  }
0x24: {  	s3 =	sadd.s32 $0x88, s3;
	s6 =	simm.s32 @!p1 $0x1082;
	[sflag:s4] =	ssyncset.s32 $0xFFFFF086  }
0x25: {  	[simem:s6], [sflag:s4] =	dma.local [hbm:s3], $0xF7A  }
0x26: {  	[smem:$0x3F9F] =	sst s1;
	(tag) =	ssettag s2;
	_ =	strace s9  }
0x27: {  	s1 =	sld [smem:$0x3FAF]  }
0x28: {  	s2 =	sld [smem:$0x3FB0]  }
0x29: {  	s4 =	sld [smem:$0x3FB2]  }
0x2a: {  	p0 =	seq.s32 s5, $0x0;
	s5 =	sld [smem:$0x3FB3]  }
0x2b: {  	s6 =	sld [smem:$0x3FB4]  }
0x2c: {  	s7 =	sld [smem:$0x3FB5]  }
0x2d: {  	s3 =	simm.s32 $0x108;
	s8 =	sld [smem:$0x3FB6]  }
0x2e: {  	s3 =	simm.s32 @!p0 $0x1082;
	s9 =	sld [smem:$0x3FB7]  }
0x2f: {  	lr =	sadd.s32 s0, s3;
	s0 =	sld [smem:$0x3FAE]  }
0x30: {  	s3 =	sld [smem:$0x3FB1]  }
0x31: {  	[smem:$0x3FBA] =	sst s10  }
0x32: {  	s10 =	sld [smem:$0x3FB8];
	_ =	sdelay $0x3  }
0x33: {  	p0 =	seq.s32 s10, $0x1;
	s10 =	sld [smem:$0x3FBA];
	_ =	sdelay $0x3  }
0x34: {  	[smem:$0x3FBA] =	sst s10  }
0x35: {  	s10 =	sld [smem:$0x3FB9];
	_ =	sdelay $0x3  }
0x36: {  	p1 =	seq.s32 s10, $0x1;
	s10 =	sld [smem:$0x3FBA];
	_ =	sdelay $0x3  }
0x37: {  	[smem:$0x3FBA] =	sst s10  }
0x38: {  	s10 =	sld [smem:$0x3FBB]  }
0x39: {  	_ = 	snop;
	(pc) =	sbr.ind lr, $3  }
0x3a: {  	_ = 	snop  }
0x3b: {  	_ = 	snop  }
0x3c: {  	p2 =	seq.s32 s10, $0x1;
	s10 =	sld [smem:$0x3FBA]  }
0x3d: {  	_ =	shalt  }
0x3e: {  	_ =	shalt  }
0x3f: {  	_ =	shalt  }
0x40: {  	_ =	shalt  }
0x41: {  	_ =	shalt  }
0x42: {  	_ =	shalt  }
0x43: {  	_ =	shalt  }
0x44: {  	_ =	shalt  }
0x45: {  	_ =	shalt  }
0x46: {  	_ =	shalt  }
0x47: {  	_ =	shalt  }
0x48: {  	_ =	shalt  }
0x49: {  	_ =	shalt  }
0x4a: {  	_ =	shalt  }
0x4b: {  	_ =	shalt  }
0x4c: {  	_ =	shalt  }
0x4d: {  	_ =	shalt  }
0x4e: {  	_ =	shalt  }
0x4f: {  	_ =	shalt  }
0x50: {  	_ =	shalt  }
0x51: {  	_ =	shalt  }
0x52: {  	_ =	shalt  }
0x53: {  	_ =	shalt  }
0x54: {  	_ =	shalt  }
0x55: {  	_ =	shalt  }
0x56: {  	_ =	shalt  }
0x57: {  	_ =	shalt  }
0x58: {  	_ =	shalt  }
0x59: {  	_ =	shalt  }
0x5a: {  	_ =	shalt  }
0x5b: {  	_ =	shalt  }
0x5c: {  	_ =	shalt  }
0x5d: {  	_ =	shalt  }
0x5e: {  	_ =	shalt  }
0x5f: {  	_ =	shalt  }
0x60: {  	_ =	shalt  }
0x61: {  	_ =	shalt  }
0x62: {  	_ =	shalt  }
0x63: {  	_ =	shalt  }
0x64: {  	_ =	shalt  }
0x65: {  	_ =	shalt  }
0x66: {  	_ =	shalt  }
0x67: {  	_ =	shalt  }
0x68: {  	_ =	shalt  }
0x69: {  	_ =	shalt  }
0x6a: {  	_ =	shalt  }
0x6b: {  	_ =	shalt  }
0x6c: {  	_ =	shalt  }
0x6d: {  	_ =	shalt  }
0x6e: {  	_ =	shalt  }
0x6f: {  	_ =	shalt  }
0x70: {  	_ =	shalt  }
0x71: {  	_ =	shalt  }
0x72: {  	_ =	shalt  }
0x73: {  	_ =	shalt  }
0x74: {  	_ =	shalt  }
0x75: {  	_ =	shalt  }
0x76: {  	_ =	shalt  }
0x77: {  	_ =	shalt  }
0x78: {  	_ =	shalt  }
0x79: {  	_ =	shalt  }
0x7a: {  	_ =	shalt  }
0x7b: {  	_ =	shalt  }
0x7c: {  	_ =	shalt  }
0x7d: {  	_ =	shalt  }
0x7e: {  	_ =	shalt  }
0x7f: {  	_ =	shalt  }
0x80: {  	_ =	shalt  }
0x81: {  	_ =	shalt  }
0x82: {  	_ =	shalt  }
0x83: {  	_ =	shalt  }
0x84: {  	_ =	shalt  }
0x85: {  	_ =	shalt  }
0x86: {  	_ =	shalt  }
0x87: {  	_ =	shalt  }
.Lfunc_end0:
.L_simem_size_0:
called_computation.3_lowered:
.L_overlay_start_0:
0x88: {  	s2 =	sld [smem:$0x3FD9]  }
0x89: {  	s3 =	sld [smem:$0x3FFE];
	_ =	sdelay $0x1  }
0x8a: {  	s1 =	srdreg.scid  }
0x8b: {  	s0 =	sand.u32 $0x1, s1  }
0x8c: {  	s16 =	sshll.u32 s0, $0xA;
	s2 =	sadd.s32 s3, s2  }
0x8d: {  	s2 =	sadd.s32 s2, s16  }
0x8e: {  	[smem:$0x3FC6] =	sst s2  }
0x8f: {  	_ = 	snop  }
0x90: {  	(tm) =	ssettm $0x1  }
0x91: {  	s17 =	sld [smem:$0x3FFB];
	_ =	sdelay $0x3  }
0x92: {  	_ =	strace s17  }
0x93: {  	s2 =	sld [smem:$0x3FFC];
	_ =	sdelay $0x3  }
0x94: {  	_ =	strace s2  }
0x95: {  	s2 =	sld [smem:$0x3FFD];
	_ =	sdelay $0x3  }
0x96: {  	_ =	strace s2  }
0x97: {  	_ =	strace $0x8FFFFFFF  }
0x98: {  	s18 =	sld [smem:$0x3FDB];
	_ =	sdelay $0x1  }
0x99: {  	s19 =	simm.s32 $_scs_section_size  }
0x9a: {  	s4 =	simm.s32 $_size__tile_overlayer_lowered;
	s5 =	simm.s32 $_tile_overlayer_lowered  }
0x9b: {  	s22 =	simm.s32 $0x1BFF;
	s21 =	sshll.u32 s5, $0x1;
	s2 =	sadd.s32 s19, s18  }
0x9c: {  	s6 =	simm.s32 $0x0;
	s20 =	sshll.u32 s4, $0x1;
	s4 =	sadd.s32 s21, s2  }
0x9d: {  	[timem:s6], [sflag:s22] =	dma.local [hbm:s4], s20  }
0x9e: {  	_ =	swait.ge [sflag:s22], s20  }
0x9f: {  	s3 =	ssub.s32 $0x0, s20;
	[sflag:s22] =	ssyncset.done $0x0  }
0xa0: {  	[sflag:s22] =	ssyncadd.s32 s3;
	_ =	sdelay $0x1  }
0xa1: {  	s23 =	simm.s32 $0x1B8B  }
0xa2: {  	_ =	swait.ge [sflag:s23], $0x1  }
0xa3: {  	[sflag:s23] =	ssyncset.done $0x0  }
0xa4: {  	s25 =	simm.s32 $0x1B8E;
	s24 =	sld [smem:$0x3FFE];
	[sflag:s23] =	ssyncadd.s32 $0xFFFFFFFF  }
0xa5: {  	s26 =	simm.s32 $execute0_lowered;
	[smem:$0x3FD2] =	sst s25  }
0xa6: {  	s4 =	sshll.u32 s26, $0x1;
	_ =	strace $0x80000046;
	[dreg:$0x1] =	wrdreg $0xFFFFFFFF  }
0xa7: {  	s28 =	simm.s32 $_size_execute0_lowered;
	s2 =	sadd.s32 s2, s4;
	[dreg:$0x0] =	wrdreg $0x0  }
0xa8: {  	s4 =	sshll.u32 s28, $0x1;
	[dreg:$0x2] =	wrdreg s2  }
0xa9: {  	[dreg:$0x3] =	wrdreg s4  }
0xaa: {  	[dreg:$0x4] =	wrdreg $0xC0  }
0xab: {  	_ =	task [dreg:s6], $0x5FFFF  }
0xac: {  	[dreg:$0x1] =	wrdreg $0xFFFFFFFF  }
0xad: {  	[dreg:$0x0] =	wrdreg $0x60  }
0xae: {  	[dreg:$0x2] =	wrdreg s24  }
0xaf: {  	[dreg:$0x3] =	wrdreg $0x9  }
0xb0: {  	_ =	task.clear_ibuf [dreg:s6], $0x4FFFF;
	_ =	strace $0x90000046  }
0xb1: {  	s29 =	simm.s32 $0x9;
	_ =	strace $0x80000048  }
0xb2: {  	_ =	swait.ge [sflag:s29], $0x1  }
0xb3: {  	[sflag:s29] =	ssyncadd.s32 $0xFFFFFFFF  }
0xb4: {  	_ =	strace $0x90000048  }
0xb5: {  	_ =	sfence  }
0xb6: {  	s30 =	sld [smem:$0x0];
	_ =	sdelay $0x2  }
0xb7: {  	s31 =	sshll.u32 s1, $0xD;
	s1 =	sshrl.u32 s1, $0x2  }
0xb8: {  	s3 =	sand.u32 $0x4000, s31;
	s1 =	sadd.s32 s1, s30  }
0xb9: {  	s0 =	sor.u32 s3, s0;
	s1 =	sshll.u32 s1, $0x11  }
0xba: {  	s0 =	sor.u32 s1, s0  }
0xbb: {  	s0 =	sadd.s32 $0x8F2B, s0  }
0xbc: {  	[sflag:s0] =	ssyncadd.remote.s32 $0x1  }
0xbd: {  	_ =	sfence.sel $0xFFFF  }
0xbe: {  	[dreg:$0x0] =	wrdreg $0xFFFFFFFF;
	(pc) =	sbr.abs _section_cstart, $3  }
0xbf: {  	[dreg:$0x1] =	wrdreg $0xFFFFFFFF  }
0xc0: {  	_ =	task.clear_ibuf [dreg:s6], $0x2FFFF;
	_ =	strace $0x9FFFFFFF  }
0xc1: {  	(tm) =	ssettm $0x7FFFFFFF  }
tec
execute0_lowered:
.L_overlay_start_1:
0x0: {  	(tag) =	ssettag $0x1  }
0x1: {  	s0 =	srdreg.scid  }
0x2: {  	s11 =	stileid.u32;
	s4 =	rddreg [dreg:$0x0]  }
0x3: {  	s28 =	simm.s32 $0x5400;
	s29 =	simm.s32 $0x7400;
	s30 =	simm.s32 $0x9400  }
0x4: {  	s31 =	simm.s32 $0x1;
	s0 =	sand.u32 $0x1, s0;
	s1 =	sshll.u32 s11, $0x1  }
0x5: {  	s13 =	simm.s32 $0x4;
	s21 =	smul.u32 $0x190000, s11;
	s1 =	sor.u32 s0, s1  }
0x6: {  	s15 =	simm.s32 $0x0;
	s6 =	ssub.s32 $0x2, s0;
	s2 =	smul.u32 $0x64, s1  }
0x7: {  	s11 =	simm.s32 $0x2;
	s7 =	sshrl.u32 s6, $0x1;
	s18 =	smul.u32 $0x19000, s1  }
0x8: {  	s3 =	sshll.u32 s0, $0x2;
	s1 =	smul.u32 $0xC8000, s1;
	s10 =	ssub.s32 s6, s7  }
0x9: {  	s6 =	sshll.u32 s0, $0x9;
	s3 =	ssub.s32 s2, s3;
	s2 =	simm.s32 $0x0  }
0xa: {  	s0 =	smul.u32 $0xC8000, s0;
	s16 =	sadd.s32 $0x200, s6;
	[smem:$0x7FF] =	sst s2  }
0xb: {  	s17 =	sadd.s32 $0x280, s6;
	_ =	strace $0x80000047;
	[dreg:$0x3] =	wrdreg s16  }
0xc: {  	s7 =	sor.u32 $0x80, s6;
	s12 =	sadd.s32 $0x300, s6;
	[dreg:$0x4] =	wrdreg s17  }
0xd: {  	s8 =	sor.u32 $0x100, s6;
	s19 =	sadd.s32 $0x380, s6;
	[dreg:$0x5] =	wrdreg s12  }
0xe: {  	s9 =	sor.u32 $0x180, s6;
	s20 =	smax.u32 s10, $0x1;
	[dreg:$0x6] =	wrdreg s19  }
0xf: {  	s22 =	sor.u32 $0x3000, s6;
	s23 =	sor.u32 $0x3080, s6;
	[dreg:$0x7] =	wrdreg s20  }
0x10: {  	s24 =	sor.u32 $0x3100, s6;
	s1 =	sshrl.u32 s1, $0x3;
	[dreg:$0x8] =	wrdreg s22  }
0x11: {  	s25 =	sor.u32 $0x3180, s6;
	s10 =	simm.s32 $0x11400;
	[dreg:$0x9] =	wrdreg s23  }
0x12: {  	s3 =	sshll.u32 s3, $0x4;
	s0 =	sadd.s32 s0, s21;
	[dreg:$0xa] =	wrdreg s24  }
0x13: {  	s3 =	sand.u32 $0x1FFFFF80, s3;
	[dreg:$0xb] =	wrdreg s25;
	s23 =	sadd.s32 $0x10000, s0  }
0x14: {  	s24 =	simm.s32 $0x5;
	s25 =	simm.s32 $0x80;
	s0 =	simm.s32 $0xD400  }
0x15: {  	s5 =	sadd.s32 s3, s4;
	s3 =	sadd.s32 $0xF43A00, s4;
	s4 =	sadd.s32 $0xDE00, s4  }
0x16: {  	s12 =	simm.s32 $0x3;
	s5 =	sadd.s32 $0x1600, s5;
	s14 =	sadd.s32 s4, s18  }
0x17: {  	s1 =	sadd.s32 s4, s1;
	[dreg:$0x2] =	wrdreg s5;
	s16 =	sadd.s32 $0x1000, s14  }
0x18: {  	s26 =	sadd.s32 $0x17000, s14;
	s22 =	sadd.s32 $0x18000, s1;
	s1 =	simm.s32 $0xB400  }
0x19: {  	s5 =	simm.s32 $0xF400;
	[dreg:$0xc] =	wrdreg s26;
	s26 =	simm.s32 $0x3400  }
.LBB2_1:
0x1a: {  	s17 =	rddreg [dreg:$0x2]  }
0x1b: {  	[tilespmem:s2], [sflag:$0x5] =	stream.linear.gather [hbm4b:s17+s2], $0x3400, $0x38;
	[tilespmem:$0x13400] =	vst v63  }
0x1c: {  	_ =	swait.ge [sflag:s24], $0x3400  }
0x1d: {  	[sflag:s24] =	ssyncset.done $0x0  }
0x1e: {  	[sflag:s24] =	ssyncadd.s32 $0xFFFFCC00  }
0x1f: {  	[tilespmem:s26], [sflag:$0x1] =	stream.indirect.gather [hbm4b:s3+s25], $0x40, s6, s25, $0xb8;
	[tilespmem:$0x13400] =	vst v63  }
0x20: {  	_ = 	snop  }
0x21: {  	[tilespmem:s28], [sflag:$0x1] =	stream.indirect.gather [hbm4b:s3+s25], $0x40, s7, s25, $0xb8;
	[tilespmem:$0x13400] =	vst v63  }
0x22: {  	_ = 	snop  }
0x23: {  	[tilespmem:s29], [sflag:$0x1] =	stream.indirect.gather [hbm4b:s3+s25], $0x40, s8, s25, $0xb8;
	[tilespmem:$0x13400] =	vst v63  }
0x24: {  	_ = 	snop  }
0x25: {  	[tilespmem:s30], [sflag:$0x1] =	stream.indirect.gather [hbm4b:s3+s25], $0x40, s9, s25, $0xb8;
	[tilespmem:$0x13400] =	vst v63  }
0x26: {  	_ =	swait.ge [sflag:s31], $0x2000  }
0x27: {  	[sflag:s31] =	ssyncset.done $0x0  }
0x28: {  	[sflag:s31] =	ssyncadd.s32 $0xFFFFE000  }
0x29: {  	_ =	swait.ge [sflag:s31], $0x2000  }
0x2a: {  	[sflag:s31] =	ssyncset.done $0x0  }
0x2b: {  	[sflag:s31] =	ssyncadd.s32 $0xFFFFE000  }
0x2c: {  	_ =	swait.ge [sflag:s31], $0x2000  }
0x2d: {  	[sflag:s31] =	ssyncset.done $0x0  }
0x2e: {  	[sflag:s31] =	ssyncadd.s32 $0xFFFFE000  }
0x2f: {  	_ =	swait.ge [sflag:s31], $0x2000  }
0x30: {  	[sflag:s31] =	ssyncset.done $0x0  }
0x31: {  	s21 =	rddreg [dreg:$0x3];
	[sflag:s31] =	ssyncadd.s32 $0xFFFFE000  }
0x32: {  	[tilespmem:s1], [sflag:$0x2] =	stream.indirect.gather [hbm4b:s3+s25], $0x40, s21, s25, $0xb8;
	[tilespmem:$0x13400] =	vst v63  }
0x33: {  	s18 =	rddreg [dreg:$0x4]  }
0x34: {  	[tilespmem:s0], [sflag:$0x2] =	stream.indirect.gather [hbm4b:s3+s25], $0x40, s18, s25, $0xb8;
	[tilespmem:$0x13400] =	vst v63  }
0x35: {  	s19 =	rddreg [dreg:$0x5]  }
0x36: {  	[tilespmem:s5], [sflag:$0x2] =	stream.indirect.gather [hbm4b:s3+s25], $0x40, s19, s25, $0xb8;
	[tilespmem:$0x13400] =	vst v63  }
0x37: {  	s20 =	rddreg [dreg:$0x6]  }
0x38: {  	[tilespmem:s10], [sflag:$0x2] =	stream.indirect.gather [hbm4b:s3+s25], $0x40, s20, s25, $0xb8;
	[tilespmem:$0x13400] =	vst v63  }
0x39: {  	_ = 	snop  }
0x3a: {  	[hbm4b:s14+s2] =	stream.linear.scatter [tilespmem:s26], [sflag:$0x3], $0x8000, $0x38;
	[tilespmem:$0x13400] =	vst v63  }
0x3b: {  	_ =	swait.ge [sflag:s11], $0x2000  }
0x3c: {  	[sflag:s11] =	ssyncset.done $0x0  }
0x3d: {  	[sflag:s11] =	ssyncadd.s32 $0xFFFFE000  }
0x3e: {  	_ =	swait.ge [sflag:s11], $0x2000  }
0x3f: {  	[sflag:s11] =	ssyncset.done $0x0  }
0x40: {  	[sflag:s11] =	ssyncadd.s32 $0xFFFFE000  }
0x41: {  	_ =	swait.ge [sflag:s11], $0x2000  }
0x42: {  	[sflag:s11] =	ssyncset.done $0x0  }
0x43: {  	[sflag:s11] =	ssyncadd.s32 $0xFFFFE000  }
0x44: {  	_ =	swait.ge [sflag:s11], $0x2000  }
0x45: {  	[sflag:s11] =	ssyncset.done $0x0  }
0x46: {  	[sflag:s11] =	ssyncadd.s32 $0xFFFFE000  }
0x47: {  	_ =	swait.ge [sflag:s12], $0x8000  }
0x48: {  	s17 =	sadd.s32 $0x0, s6;
	[sflag:s12] =	ssyncset.done $0x0  }
0x49: {  	s18 =	sadd.s32 $0x400, s17;
	[sflag:s12] =	ssyncadd.s32 $0xFFFF8000  }
0x4a: {  	[tilespmem:s26], [sflag:$0x1] =	stream.indirect.gather [hbm4b:s3+s25], $0x40, s18, s25, $0xb8;
	[tilespmem:$0x13400] =	vst v63  }
0x4b: {  	s21 =	sadd.s32 $0x480, s17  }
0x4c: {  	[tilespmem:s28], [sflag:$0x1] =	stream.indirect.gather [hbm4b:s3+s25], $0x40, s21, s25, $0xb8;
	[tilespmem:$0x13400] =	vst v63  }
0x4d: {  	s19 =	sadd.s32 $0x500, s17  }
0x4e: {  	[tilespmem:s29], [sflag:$0x1] =	stream.indirect.gather [hbm4b:s3+s25], $0x40, s19, s25, $0xb8;
	[tilespmem:$0x13400] =	vst v63  }
0x4f: {  	s20 =	sadd.s32 $0x580, s17  }
0x50: {  	[tilespmem:s30], [sflag:$0x1] =	stream.indirect.gather [hbm4b:s3+s25], $0x40, s20, s25, $0xb8;
	[tilespmem:$0x13400] =	vst v63  }
0x51: {  	_ = 	snop  }
0x52: {  	[hbm4b:s16+s2] =	stream.linear.scatter [tilespmem:s1], [sflag:$0x4], $0x8000, $0x38;
	[tilespmem:$0x13400] =	vst v63  }
0x53: {  	_ =	swait.ge [sflag:s31], $0x2000  }
0x54: {  	[sflag:s31] =	ssyncset.done $0x0  }
0x55: {  	[sflag:s31] =	ssyncadd.s32 $0xFFFFE000  }
0x56: {  	_ =	swait.ge [sflag:s31], $0x2000  }
0x57: {  	[sflag:s31] =	ssyncset.done $0x0  }
0x58: {  	[sflag:s31] =	ssyncadd.s32 $0xFFFFE000  }
0x59: {  	_ =	swait.ge [sflag:s31], $0x2000  }
0x5a: {  	[sflag:s31] =	ssyncset.done $0x0  }
0x5b: {  	[sflag:s31] =	ssyncadd.s32 $0xFFFFE000  }
0x5c: {  	_ =	swait.ge [sflag:s31], $0x2000  }
0x5d: {  	[sflag:s31] =	ssyncset.done $0x0  }
0x5e: {  	[sflag:s31] =	ssyncadd.s32 $0xFFFFE000  }
0x5f: {  	_ =	swait.ge [sflag:s13], $0x8000  }
0x60: {  	[sflag:s13] =	ssyncset.done $0x0  }
0x61: {  	s21 =	sadd.s32 $0x600, s17;
	[sflag:s13] =	ssyncadd.s32 $0xFFFF8000  }
0x62: {  	[tilespmem:s1], [sflag:$0x2] =	stream.indirect.gather [hbm4b:s3+s25], $0x40, s21, s25, $0xb8;
	[tilespmem:$0x13400] =	vst v63  }
0x63: {  	s19 =	sadd.s32 $0x680, s17  }
0x64: {  	[tilespmem:s0], [sflag:$0x2] =	stream.indirect.gather [hbm4b:s3+s25], $0x40, s19, s25, $0xb8;
	[tilespmem:$0x13400] =	vst v63  }
0x65: {  	s20 =	sadd.s32 $0x700, s17  }
0x66: {  	[tilespmem:s5], [sflag:$0x2] =	stream.indirect.gather [hbm4b:s3+s25], $0x40, s20, s25, $0xb8;
	[tilespmem:$0x13400] =	vst v63  }
0x67: {  	s18 =	sadd.s32 $0x2000, s16;
	s17 =	sadd.s32 $0x780, s17;
	s21 =	sshrl.u32 s23, $0x3  }
0x68: {  	[tilespmem:s10], [sflag:$0x2] =	stream.indirect.gather [hbm4b:s3+s25], $0x40, s17, s25, $0xb8;
	[tilespmem:$0x13400] =	vst v63  }
0x69: {  	s19 =	sadd.s32 $0x10000, s23;
	s20 =	sadd.s32 s4, s21;
	s17 =	simm.s32 $0x1000  }
.LBB2_2:
0x6a: {  	[hbm4b:s20+s2] =	stream.linear.scatter [tilespmem:s26], [sflag:$0x3], $0x8000, $0x38;
	[tilespmem:$0x13400] =	vst v63  }
0x6b: {  	s20 =	smov.u32 s17  }
0x6c: {  	p0 =	sne.s32 s17, $0xA000;
	s17 =	sadd.s32 $0x1000, s17;
	_ =	swait.ge [sflag:s11], $0x2000  }
0x6d: {  	[sflag:s11] =	ssyncset.done $0x0  }
0x6e: {  	[sflag:s11] =	ssyncadd.s32 $0xFFFFE000  }
0x6f: {  	_ =	swait.ge [sflag:s11], $0x2000  }
0x70: {  	[sflag:s11] =	ssyncset.done $0x0  }
0x71: {  	[sflag:s11] =	ssyncadd.s32 $0xFFFFE000  }
0x72: {  	_ =	swait.ge [sflag:s11], $0x2000  }
0x73: {  	[sflag:s11] =	ssyncset.done $0x0  }
0x74: {  	[sflag:s11] =	ssyncadd.s32 $0xFFFFE000  }
0x75: {  	_ =	swait.ge [sflag:s11], $0x2000  }
0x76: {  	[sflag:s11] =	ssyncset.done $0x0  }
0x77: {  	[sflag:s11] =	ssyncadd.s32 $0xFFFFE000  }
0x78: {  	s20 =	sshra.s32 s20, $0x2;
	_ =	swait.ge [sflag:s12], $0x8000  }
0x79: {  	s20 =	sadd.s32 s20, s6;
	[sflag:s12] =	ssyncset.done $0x0  }
0x7a: {  	s21 =	sadd.s32 $0x400, s20;
	[sflag:s12] =	ssyncadd.s32 $0xFFFF8000  }
0x7b: {  	[tilespmem:s26], [sflag:$0x1] =	stream.indirect.gather [hbm4b:s3+s25], $0x40, s21, s25, $0xb8;
	[tilespmem:$0x13400] =	vst v63  }
0x7c: {  	s21 =	sadd.s32 $0x480, s20  }
0x7d: {  	[tilespmem:s28], [sflag:$0x1] =	stream.indirect.gather [hbm4b:s3+s25], $0x40, s21, s25, $0xb8;
	[tilespmem:$0x13400] =	vst v63  }
0x7e: {  	s21 =	sadd.s32 $0x500, s20  }
0x7f: {  	[tilespmem:s29], [sflag:$0x1] =	stream.indirect.gather [hbm4b:s3+s25], $0x40, s21, s25, $0xb8;
	[tilespmem:$0x13400] =	vst v63  }
0x80: {  	s21 =	sadd.s32 $0x580, s20  }
0x81: {  	[tilespmem:s30], [sflag:$0x1] =	stream.indirect.gather [hbm4b:s3+s25], $0x40, s21, s25, $0xb8;
	[tilespmem:$0x13400] =	vst v63  }
0x82: {  	_ = 	snop  }
0x83: {  	[hbm4b:s18+s2] =	stream.linear.scatter [tilespmem:s1], [sflag:$0x4], $0x8000, $0x38;
	[tilespmem:$0x13400] =	vst v63  }
0x84: {  	_ =	swait.ge [sflag:s31], $0x2000  }
0x85: {  	[sflag:s31] =	ssyncset.done $0x0  }
0x86: {  	[sflag:s31] =	ssyncadd.s32 $0xFFFFE000  }
0x87: {  	_ =	swait.ge [sflag:s31], $0x2000  }
0x88: {  	[sflag:s31] =	ssyncset.done $0x0  }
0x89: {  	[sflag:s31] =	ssyncadd.s32 $0xFFFFE000  }
0x8a: {  	_ =	swait.ge [sflag:s31], $0x2000  }
0x8b: {  	[sflag:s31] =	ssyncset.done $0x0  }
0x8c: {  	[sflag:s31] =	ssyncadd.s32 $0xFFFFE000  }
0x8d: {  	_ =	swait.ge [sflag:s31], $0x2000  }
0x8e: {  	[sflag:s31] =	ssyncset.done $0x0  }
0x8f: {  	[sflag:s31] =	ssyncadd.s32 $0xFFFFE000  }
0x90: {  	_ =	swait.ge [sflag:s13], $0x8000  }
0x91: {  	[sflag:s13] =	ssyncset.done $0x0  }
0x92: {  	s21 =	sadd.s32 $0x600, s20;
	[sflag:s13] =	ssyncadd.s32 $0xFFFF8000  }
0x93: {  	[tilespmem:s1], [sflag:$0x2] =	stream.indirect.gather [hbm4b:s3+s25], $0x40, s21, s25, $0xb8;
	[tilespmem:$0x13400] =	vst v63  }
0x94: {  	s21 =	sadd.s32 $0x680, s20  }
0x95: {  	[tilespmem:s0], [sflag:$0x2] =	stream.indirect.gather [hbm4b:s3+s25], $0x40, s21, s25, $0xb8;
	[tilespmem:$0x13400] =	vst v63  }
.Ltmp0:
0x96: {  	s21 =	sadd.s32 $0x700, s20;
	(pc) =	sbr.rel @p0 .LBB2_2-.Ltmp0, $4  }
0x97: {  	[tilespmem:s5], [sflag:$0x2] =	stream.indirect.gather [hbm4b:s3+s25], $0x40, s21, s25, $0xb8;
	[tilespmem:$0x13400] =	vst v63  }
0x98: {  	s20 =	sadd.s32 $0x780, s20;
	s21 =	sshrl.u32 s19, $0x3  }
0x99: {  	[tilespmem:s10], [sflag:$0x2] =	stream.indirect.gather [hbm4b:s3+s25], $0x40, s20, s25, $0xb8;
	[tilespmem:$0x13400] =	vst v63  }
0x9a: {  	s18 =	sadd.s32 $0x2000, s18;
	s19 =	sadd.s32 $0x10000, s19;
	s20 =	sadd.s32 s4, s21  }
0x9b: {  	[hbm4b:s20+s2] =	stream.linear.scatter [tilespmem:s26], [sflag:$0x3], $0x8000, $0x38;
	[tilespmem:$0x13400] =	vst v63  }
0x9c: {  	_ =	swait.ge [sflag:s11], $0x2000  }
0x9d: {  	[sflag:s11] =	ssyncset.done $0x0  }
0x9e: {  	[sflag:s11] =	ssyncadd.s32 $0xFFFFE000  }
0x9f: {  	_ =	swait.ge [sflag:s11], $0x2000  }
0xa0: {  	[sflag:s11] =	ssyncset.done $0x0  }
0xa1: {  	[sflag:s11] =	ssyncadd.s32 $0xFFFFE000  }
0xa2: {  	_ =	swait.ge [sflag:s11], $0x2000  }
0xa3: {  	[sflag:s11] =	ssyncset.done $0x0  }
0xa4: {  	[sflag:s11] =	ssyncadd.s32 $0xFFFFE000  }
0xa5: {  	_ =	swait.ge [sflag:s11], $0x2000  }
0xa6: {  	[sflag:s11] =	ssyncset.done $0x0  }
0xa7: {  	[sflag:s11] =	ssyncadd.s32 $0xFFFFE000  }
0xa8: {  	_ =	swait.ge [sflag:s12], $0x8000  }
0xa9: {  	[sflag:s12] =	ssyncset.done $0x0  }
0xaa: {  	s17 =	rddreg [dreg:$0x8];
	[sflag:s12] =	ssyncadd.s32 $0xFFFF8000  }
0xab: {  	[tilespmem:s26], [sflag:$0x1] =	stream.indirect.gather [hbm4b:s3+s25], $0x40, s17, s25, $0xb8;
	[tilespmem:$0x13400] =	vst v63  }
0xac: {  	s21 =	rddreg [dreg:$0x9]  }
0xad: {  	[tilespmem:s28], [sflag:$0x1] =	stream.indirect.gather [hbm4b:s3+s25], $0x40, s21, s25, $0xb8;
	[tilespmem:$0x13400] =	vst v63  }
0xae: {  	s18 =	rddreg [dreg:$0xa]  }
0xaf: {  	[tilespmem:s29], [sflag:$0x1] =	stream.indirect.gather [hbm4b:s3+s25], $0x40, s18, s25, $0xb8;
	[tilespmem:$0x13400] =	vst v63  }
0xb0: {  	s19 =	rddreg [dreg:$0xb]  }
0xb1: {  	[tilespmem:s30], [sflag:$0x1] =	stream.indirect.gather [hbm4b:s3+s25], $0x40, s19, s25, $0xb8;
	[tilespmem:$0x13400] =	vst v63  }
0xb2: {  	s20 =	rddreg [dreg:$0xc]  }
0xb3: {  	[hbm4b:s20+s2] =	stream.linear.scatter [tilespmem:s1], [sflag:$0x4], $0x8000, $0x38;
	[tilespmem:$0x13400] =	vst v63  }
0xb4: {  	_ =	swait.ge [sflag:s31], $0x2000  }
0xb5: {  	[sflag:s31] =	ssyncset.done $0x0  }
0xb6: {  	[sflag:s31] =	ssyncadd.s32 $0xFFFFE000  }
0xb7: {  	_ =	swait.ge [sflag:s31], $0x2000  }
0xb8: {  	[sflag:s31] =	ssyncset.done $0x0  }
0xb9: {  	[sflag:s31] =	ssyncadd.s32 $0xFFFFE000  }
0xba: {  	_ =	swait.ge [sflag:s31], $0x2000  }
0xbb: {  	[sflag:s31] =	ssyncset.done $0x0  }
0xbc: {  	[sflag:s31] =	ssyncadd.s32 $0xFFFFE000  }
0xbd: {  	_ =	swait.ge [sflag:s31], $0x2000  }
0xbe: {  	[sflag:s31] =	ssyncset.done $0x0  }
0xbf: {  	[sflag:s31] =	ssyncadd.s32 $0xFFFFE000  }
0xc0: {  	_ =	swait.ge [sflag:s13], $0x8000  }
0xc1: {  	[sflag:s13] =	ssyncset.done $0x0  }
0xc2: {  	[sflag:s13] =	ssyncadd.s32 $0xFFFF8000  }
0xc3: {  	[tilespmem:s1], [sflag:$0x2] =	stream.indirect.gather [hbm4b:s3+s25], $0x40, s6, s25, $0xb8;
	[tilespmem:$0x13400] =	vst v63  }
0xc4: {  	_ = 	snop  }
0xc5: {  	[tilespmem:s0], [sflag:$0x2] =	stream.indirect.gather [hbm4b:s3+s25], $0x40, s7, s25, $0xb8;
	[tilespmem:$0x13400] =	vst v63  }
0xc6: {  	_ = 	snop  }
0xc7: {  	[tilespmem:s5], [sflag:$0x2] =	stream.indirect.gather [hbm4b:s3+s25], $0x40, s8, s25, $0xb8;
	[tilespmem:$0x13400] =	vst v63  }
0xc8: {  	_ = 	snop  }
0xc9: {  	[tilespmem:s10], [sflag:$0x2] =	stream.indirect.gather [hbm4b:s3+s25], $0x40, s9, s25, $0xb8;
	[tilespmem:$0x13400] =	vst v63  }
0xca: {  	_ = 	snop  }
0xcb: {  	[hbm4b:s22+s2] =	stream.linear.scatter [tilespmem:s26], [sflag:$0x3], $0x8000, $0x38;
	[tilespmem:$0x13400] =	vst v63  }
0xcc: {  	_ =	swait.ge [sflag:s11], $0x2000  }
0xcd: {  	[sflag:s11] =	ssyncset.done $0x0  }
0xce: {  	[sflag:s11] =	ssyncadd.s32 $0xFFFFE000  }
0xcf: {  	_ =	swait.ge [sflag:s11], $0x2000  }
0xd0: {  	[sflag:s11] =	ssyncset.done $0x0  }
0xd1: {  	[sflag:s11] =	ssyncadd.s32 $0xFFFFE000  }
0xd2: {  	_ =	swait.ge [sflag:s11], $0x2000  }
0xd3: {  	[sflag:s11] =	ssyncset.done $0x0  }
0xd4: {  	[sflag:s11] =	ssyncadd.s32 $0xFFFFE000  }
0xd5: {  	_ =	swait.ge [sflag:s11], $0x2000  }
0xd6: {  	[sflag:s11] =	ssyncset.done $0x0  }
0xd7: {  	[sflag:s11] =	ssyncadd.s32 $0xFFFFE000  }
0xd8: {  	_ =	swait.ge [sflag:s12], $0x8000  }
0xd9: {  	s15 =	sadd.s32 $0x1, s15;
	s21 =	rddreg [dreg:$0x7]  }
0xda: {  	p0 =	sne.s32 s15, s21  }
.Ltmp1:
0xdb: {  	_ = 	snop;
	(pc) =	sbr.rel @p0 .LBB2_1-.Ltmp1, $3  }
0xdc: {  	_ =	sdelay $0x1  }
0xdd: {  	[sflag:s12] =	ssyncset.done $0x0  }
0xde: {  	[sflag:s12] =	ssyncadd.s32 $0xFFFF8000  }
0xdf: {  	_ =	sfence.sel $0x180000  }
0xe0: {  	[bflag:$0x0] =	sbarrier.arrive $0xFFFF  }
0xe1: {  	_ =	strace $0x90000047  }
0xe2: {  	s0 =	stileid.u32;
	[bflag:$0x2] =	sbarrier.arrive $0xFFFF  }
0xe3: {  	p0 =	sne.s32 s0, $0x0;
	s0 =	rddreg [dreg:$0x1]  }
0xe4: {  	s0 =	sadd.s32 @!p0 $0x100000, s0  }
0xe5: {  	[sflag:s0] =	ssyncadd.tile.s32 @!p0 $0x1;
	_ =	shalt  }
.Lfunc_end2:
_tile_overlayer_lowered:
.L_overlay_start_2:
0xe6: {  	(tag) =	ssettag $0x2  }
0xe7: {  	s0 =	rddreg [dreg:$0x0];
	s2 =	stileid.u32  }
0xe8: {  	s1 =	rddreg [dreg:$0x1];
	p0 =	sne.s32 s2, $0x0  }
0xe9: {  	s3 =	rddreg [dreg:$0x2];
	[bflag:$0x3] =	sbarrier.arrive $0xFFFF;
	s2 =	simm.s32 @!p0 $0x1C05  }
0xea: {  	[timem:s3], [sflag:s2] =	dma.local @!p0 [hbm:s0], s1  }
0xeb: {  	s0 =	simm.s32 @!p0 $0x5  }
0xec: {  	_ =	swait.ge @!p0 [sflag:s0], s1  }
0xed: {  	s1 =	ssub.s32 @!p0 $0x0, s1;
	[sflag:s0] =	ssyncset.done @!p0 $0x0  }
0xee: {  	[sflag:s0] =	ssyncadd.s32 @!p0 s1  }
0xef: {  	[bflag:$0x3] =	sbarrier.arrive $0xFFFF  }
0xf0: {  	_ =	shalt  }

// kernel: sparse-core-data-format-call.1.cloned.1.call-start
scs
called_computation.1_lowered:
.L_overlay_start_0:
0x0: {  	s2 =	sld [smem:$0x3FD9]  }
0x1: {  	s3 =	sld [smem:$0x3FFE];
	_ =	sdelay $0x1  }
0x2: {  	s1 =	srdreg.scid  }
0x3: {  	s0 =	sand.u32 $0x1, s1  }
0x4: {  	s18 =	sshll.u32 s0, $0xA;
	s2 =	sadd.s32 s3, s2  }
0x5: {  	s2 =	sadd.s32 s2, s18  }
0x6: {  	[smem:$0x3FC6] =	sst s2  }
0x7: {  	_ = 	snop  }
0x8: {  	(tm) =	ssettm $0x1  }
0x9: {  	s19 =	sld [smem:$0x3FFB];
	_ =	sdelay $0x3  }
0xa: {  	_ =	strace s19  }
0xb: {  	s2 =	sld [smem:$0x3FFC];
	_ =	sdelay $0x3  }
0xc: {  	_ =	strace s2  }
0xd: {  	s2 =	sld [smem:$0x3FFD];
	_ =	sdelay $0x3  }
0xe: {  	_ =	strace s2  }
0xf: {  	_ =	strace $0x8FFFFFFF  }
0x10: {  	s20 =	sld [smem:$0x3FDB];
	_ =	sdelay $0x1  }
0x11: {  	s21 =	simm.s32 $_scs_section_size  }
0x12: {  	s4 =	simm.s32 $_size__tile_overlayer_lowered;
	s5 =	simm.s32 $_tile_overlayer_lowered  }
0x13: {  	s6 =	simm.s32 $0x1BFF;
	s22 =	sshll.u32 s5, $0x1;
	s3 =	sadd.s32 s21, s20  }
0x14: {  	s23 =	simm.s32 $0x0;
	s4 =	sshll.u32 s4, $0x1;
	s5 =	sadd.s32 s22, s3  }
0x15: {  	[timem:s23], [sflag:s6] =	dma.local [hbm:s5], s4  }
0x16: {  	_ =	swait.ge [sflag:s6], s4  }
0x17: {  	s4 =	ssub.s32 $0x0, s4;
	[sflag:s6] =	ssyncset.done $0x0  }
0x18: {  	[sflag:s6] =	ssyncadd.s32 s4;
	_ =	sdelay $0x1  }
0x19: {  	s24 =	simm.s32 $0x1B8B  }
0x1a: {  	_ =	swait.ge [sflag:s24], $0x1  }
0x1b: {  	[sflag:s24] =	ssyncset.done $0x0  }
0x1c: {  	[sflag:s24] =	ssyncadd.s32 $0xFFFFFFFF  }
0x1d: {  	s4 =	sld [smem:$0x0]  }
0x1e: {  	s5 =	sand.u32 $0xFFFFFFFE, s1  }
0x1f: {  	p0 =	sne.s32 s1, s5  }
0x20: {  	s5 =	sshll.u32 @p0 s5, $0xE  }
0x21: {  	s5 =	sadd.s32 @p0 $0x11B8D, s5;
	s6 =	sshll.u32 @p0 s4, $0x11  }
0x22: {  	s5 =	sor.u32 @p0 s6, s5  }
0x23: {  	[sflag:s5] =	ssyncadd.remote.s32 @p0 $0x1;
	_ =	sdelay $0x1  }
0x24: {  	s5 =	simm.s32 @p0 $0x1B8D  }
0x25: {  	_ =	swait.eq @p0 [sflag:s5], $0x1  }
0x26: {  	[sflag:s5] =	ssyncadd.s32 @p0 $0xFFFFFFFF  }
0x27: {  	s6 =	sshll.u32 @!p0 s1, $0xE  }
0x28: {  	s6 =	sor.u32 @!p0 $0x4000, s6;
	s5 =	simm.s32 @!p0 $0x1B8D  }
0x29: {  	s4 =	sshll.u32 @!p0 s4, $0x11;
	s6 =	sadd.s32 @!p0 $0x11B8D, s6;
	_ =	swait.eq @!p0 [sflag:s5], $0x1  }
0x2a: {  	s4 =	sor.u32 @!p0 s4, s6;
	[sflag:s5] =	ssyncadd.s32 @!p0 $0xFFFFFFFF  }
0x2b: {  	s26 =	simm.s32 $0x1B8E;
	s25 =	sld [smem:$0x3FFE];
	[sflag:s4] =	ssyncadd.remote.s32 @!p0 $0x1  }
0x2c: {  	s27 =	simm.s32 $execute0_lowered;
	[smem:$0x3FD2] =	sst s26  }
0x2d: {  	s5 =	sshll.u32 s27, $0x1;
	_ =	strace $0x8000004C;
	[dreg:$0x1] =	wrdreg $0xFFFFFFFF  }
0x2e: {  	s28 =	simm.s32 $_size_execute0_lowered;
	s3 =	sadd.s32 s3, s5;
	[dreg:$0x0] =	wrdreg $0x0  }
0x2f: {  	s5 =	sshll.u32 s28, $0x1;
	[dreg:$0x2] =	wrdreg s3  }
0x30: {  	[dreg:$0x3] =	wrdreg s5  }
0x31: {  	[dreg:$0x4] =	wrdreg $0xC0  }
0x32: {  	_ =	task [dreg:s23], $0x5FFFF  }
0x33: {  	[dreg:$0x1] =	wrdreg $0xFFFFFFFF  }
0x34: {  	[dreg:$0x0] =	wrdreg $0x60  }
0x35: {  	[dreg:$0x2] =	wrdreg s25  }
0x36: {  	[dreg:$0x3] =	wrdreg $0x9  }
0x37: {  	_ =	task.clear_ibuf [dreg:s23], $0x4FFFF;
	_ =	strace $0x9000004C  }
0x38: {  	s29 =	simm.s32 $0x9;
	_ =	strace $0x8000004E  }
0x39: {  	_ =	swait.ge [sflag:s29], $0x1  }
0x3a: {  	[sflag:s29] =	ssyncadd.s32 $0xFFFFFFFF  }
0x3b: {  	_ =	strace $0x9000004E  }
0x3c: {  	_ =	sfence  }
0x3d: {  	s30 =	sld [smem:$0x0];
	_ =	sdelay $0x2  }
0x3e: {  	s31 =	sshll.u32 s1, $0xD;
	s1 =	sshrl.u32 s1, $0x2  }
0x3f: {  	s4 =	sand.u32 $0x4000, s31;
	s1 =	sadd.s32 s1, s30  }
0x40: {  	s0 =	sor.u32 s4, s0;
	s1 =	sshll.u32 s1, $0x11  }
0x41: {  	s0 =	sor.u32 s1, s0  }
0x42: {  	s0 =	sadd.s32 $0x8F2B, s0  }
0x43: {  	[sflag:s0] =	ssyncadd.remote.s32 $0x1  }
0x44: {  	_ =	sfence.sel $0xFFFF  }
0x45: {  	[dreg:$0x0] =	wrdreg $0xFFFFFFFF;
	(pc) =	sbr.abs _section_cstart, $3  }
0x46: {  	[dreg:$0x1] =	wrdreg $0xFFFFFFFF  }
0x47: {  	_ =	task.clear_ibuf [dreg:s23], $0x2FFFF;
	_ =	strace $0x9FFFFFFF  }
0x48: {  	(tm) =	ssettm $0x7FFFFFFF  }
0x49: {  	_ =	shalt  }
tec
execute0_lowered:
.L_overlay_start_1:
0x0: {  	(tag) =	ssettag $0x1  }
0x1: {  	s0 =	srdreg.scid  }
0x2: {  	s1 =	sshll.u32 s0, $0x4  }
0x3: {  	s0 =	stileid.u32;
	s1 =	sand.u32 $0x10, s1  }
0x4: {  	s1 =	sor.u32 s0, s1  }
0x5: {  	s6 =	rddreg [dreg:$0x0];
	s7 =	simm.s32 $0x2;
	s2 =	sshll.u32 s1, $0x7  }
0x6: {  	s12 =	simm.s32 $0x0;
	s8 =	simm.s32 $0x10000;
	s1 =	ssub.s32 $0x2000, s2  }
0x7: {  	s13 =	simm.s32 $0x0;
	s9 =	simm.s32 $0x0;
	s3 =	sand.u32 $0xF80, s1  }
0x8: {  	s11 =	simm.s32 $0x0;
	p0 =	sne.s32 s3, $0x0;
	s3 =	simm.s32 $0x1  }
.Ltmp0:
0x9: {  	s4 =	sshrl.u32 s1, $0xC;
	s3 =	simm.s32 @!p0 $0x0;
	(pc) =	sbr.rel .LBB1_1-.Ltmp0, $4  }
0xa: {  	s5 =	sadd.s32 $0x33A600, s6;
	s1 =	rddreg [dreg:$0x1];
	s4 =	sadd.s32 s3, s4  }
0xb: {  	_ =	strace $0x8000004D;
	s3 =	simm.s32 $0x1;
	s4 =	smul.u32 $0x32, s4  }
0xc: {  	s6 =	sadd.s32 $0x1600, s6;
	s10 =	smov.u32 s2;
	[sflag:s3] =	ssyncpa.u1 $0x0  }
0xd: {  	p0 =	por $0x0, $0x0;
	[sflag:s7] =	ssyncpa.u1 $0x0;
	s7 =	sor.u32 $0x1, s4  }
.LBB1_4:
0xe: {  	s16 =	sshll.u32 s13, $0x3;
	s17 =	sand.u32 $0x78, s13  }
0xf: {  	s30 =	sand.u32 $0xFC00, s13;
	s12 =	sshll.u32 s12, $0x10;
	s16 =	sand.u32 $0x1C00, s16  }
0x10: {  	[tilespmem:s15+$0x810 ss:$0x81] =	vst.msk $0xffff, v2;
	s31 =	sand.u32 $0x7, s13;
	s16 =	sor.u32 s17, s16;
	s17 =	sadd.s32 s6, s30  }
0x11: {  	[tilespmem:s15+$0x1020 ss:$0x81] =	vst.msk $0xffff, v0;
	s13 =	sshll.u32 s31, $0x12;
	s12 =	sadd.s32 s12, s17;
	s16 =	sshrl.u32 s16, $0x3  }
0x12: {  	[tilespmem:s15+$0x0 ss:$0x81] =	vst.msk $0xffff, v1;
	s13 =	sor.u32 $0x400, s13;
	s12 =	sadd.s32 s16, s12  }
0x13: {  	[hbm4b:s12+s13] =	stream.strided.scatter [tilespmem:s14], [sflag:$0x2], $0x2000, s8, s13, $0x20;
	[tilespmem:$0x8080] =	vst v63  }
.LBB1_5:
0x14: {  	s14 =	sadd.s32 $0x1, s9  }
0x15: {  	s12 =	sadd.s32 $0x1000, s10;
	s16 =	smov.u32 s10;
	p2 =	sgt.s32 s14, $0x31  }
0x16: {  	s16 =	smov.u32 @p2 s12  }
0x17: {  	s14 =	simm.s32 @p2 $0x0;
	p2 =	sgt.s32 s16, $0x1FFF  }
0x18: {  	s16 =	smov.u32 @p2 s2;
	p2 =	sne.s32 s11, s7  }
.Ltmp1:
0x19: {  	p1 =	slt.u32 s11, $0x2;
	(pc) =	sbr.rel @!p2 .LBB1_6-.Ltmp1, $4  }
0x1a: {  	s15 =	simm.s32 @!p1 $0x2  }
0x1b: {  	s13 =	smov.u32 s10;
	p0 =	por !p0, !p0;
	_ =	swait.ge @!p1 [sflag:s15], $0x2000  }
0x1c: {  	s12 =	smov.u32 s9;
	[sflag:s15] =	ssyncset.done @!p1 $0x0;
	s9 =	smov.u32 s14  }
0x1d: {  	s11 =	sadd.s32 $0x1, s11;
	[sflag:s15] =	ssyncadd.s32 @!p1 $0xFFFFE000;
	s10 =	smov.u32 s16  }
.LBB1_1:
0x1e: {  	p1 =	sge.u32 s11, s4  }
0x1f: {  	s14 =	sand.u32 @!p1 $0x1FFFFFF, s9  }
0x20: {  	s15 =	smulhi.u32 @!p1 $0x4924925, s14;
	_ =	sdelay $0x1  }
0x21: {  	s15 =	smul.u32 @!p1 $0x38, s15  }
0x22: {  	s16 =	sxor.u32 @!p1 $0xFFFFFFFF, s11;
	s17 =	smul.u32 @!p1 $0x380, s10  }
0x23: {  	s31 =	sadd.s32 $0xFFFFFFFF, s11;
	s16 =	sshll.u32 @!p1 s16, $0xD;
	s14 =	ssub.s32 @!p1 s14, s15  }
0x24: {  	s15 =	sand.u32 @!p1 $0x2000, s16;
	s16 =	sadd.s32 @!p1 s5, s17;
	s14 =	sshll.u32 @!p1 s14, $0x4  }
0x25: {  	s17 =	simm.s32 @!p1 $0x1C00;
	s14 =	sadd.s32 @!p1 s14, s16;
	s16 =	simm.s32 @!p1 $0x40  }
0x26: {  	[tilespmem:s15], [sflag:$0x1] =	stream.strided.gather @!p1 [hbm4b:s14+s16], $0x2000, s17, s16, $0x38;
	[tilespmem:$0x8080] =	vst v63  }
0x27: {  	p1 =	sge.u32 s31, s4  }
.Ltmp2:
0x28: {  	_ = 	snop;
	(pc) =	sbr.rel @p1 .LBB1_5-.Ltmp2, $1  }
0x29: {  	_ =	sdelay $0x3  }
0x2a: {  	s14 =	simm.s32 $0x1  }
0x2b: {  	_ =	swait.ge [sflag:s3], $0x2000;
	s14 =	simm.s32 @!p0 $0x0  }
0x2c: {  	[sflag:s3] =	ssyncset.done $0x0;
	s15 =	sshll.u32 s14, $0xD  }
0x2d: {  	[sflag:s3] =	ssyncadd.s32 $0xFFFFE000;
	s18 =	sor.u32 $0x20, s15  }
0x2e: {  	s14 =	smul.u32 $0x8100, s14;
	v3 =	vld [tilespmem:s18+$0x10]  }
0x2f: {  	s30 =	sand.u32 $0x1, s11;
	v2 =	vld [tilespmem:s18+$0xFFFFFFF0]  }
0x30: {  	s15 =	smul.u32 $0x8100, s30;
	s14 =	sshrl.u32 s14, $0x2;
	v0 =	vld [tilespmem:s18+$0x0]  }
0x31: {  	v1 =	vld [tilespmem:s18+$0xFFFFFFE0];
	s16 =	sor.u32 $0x4000, s14  }
0x32: {  	s31 =	sshrl.u32 s15, $0x2;
	s15 =	sadd.s32 $0x0, s16  }
0x33: {  	s17 =	simm.s32 $0x4;
	s18 =	sadd.s32 $0x40, s18;
	s14 =	sor.u32 $0x4000, s31;
	[tilespmem:s15+$0x1830 ss:$0x81] =	vst.msk $0xffff, v3  }
.LBB1_3:
0x34: {  	v3 =	vld [tilespmem:s18+$0x10];
	p1 =	sne.s32 s17, $0x1FC;
	[tilespmem:s15+$0x810 ss:$0x81] =	vst.msk $0xffff, v2;
	s19 =	smov.u32 s17;
	s17 =	sadd.s32 $0x4, s17  }
.Ltmp3:
0x35: {  	v2 =	vld [tilespmem:s18+$0xFFFFFFF0];
	[tilespmem:s15+$0x1020 ss:$0x81] =	vst.msk $0xffff, v0;
	(pc) =	sbr.rel @p1 .LBB1_3-.Ltmp3, $4  }
0x36: {  	v0 =	vld [tilespmem:s18+$0x0];
	[tilespmem:s15+$0x0 ss:$0x81] =	vst.msk $0xffff, v1  }
0x37: {  	s15 =	sshra.s32 s19, $0x2;
	v1 =	vld [tilespmem:s18+$0xFFFFFFE0]  }
0x38: {  	s15 =	sadd.s32 s15, s16  }
0x39: {  	s18 =	sadd.s32 $0x40, s18;
	[tilespmem:s15+$0x1830 ss:$0x81] =	vst.msk $0xffff, v3  }
.Ltmp4:
0x3a: {  	_ = 	snop;
	(pc) =	sbr.rel .LBB1_4-.Ltmp4, $1  }
0x3b: {  	_ =	sdelay $0x3  }
.LBB1_6:
0x3c: {  	_ =	sfence.sel $0x180000  }
0x3d: {  	s2 =	simm.s32 $0x1;
	[bflag:$0x0] =	sbarrier.arrive $0xFFFF  }
0x3e: {  	s31 =	simm.s32 $0x2;
	[sflag:s2] =	ssyncpa.u1 $0x1  }
0x3f: {  	[sflag:s31] =	ssyncpa.u1 $0x1  }
0x40: {  	p0 =	sne.s32 s0, $0x0;
	_ =	strace $0x9000004D  }
0x41: {  	s0 =	sadd.s32 @!p0 $0x100000, s1;
	[bflag:$0x2] =	sbarrier.arrive $0xFFFF  }
0x42: {  	[sflag:s0] =	ssyncadd.tile.s32 @!p0 $0x1;
	_ =	shalt  }
.Lfunc_end1:
_tile_overlayer_lowered:
.L_overlay_start_2:
0x43: {  	(tag) =	ssettag $0x2  }
0x44: {  	s0 =	rddreg [dreg:$0x0];
	s2 =	stileid.u32  }
0x45: {  	s1 =	rddreg [dreg:$0x1];
	p0 =	sne.s32 s2, $0x0  }
0x46: {  	s3 =	rddreg [dreg:$0x2];
	[bflag:$0x3] =	sbarrier.arrive $0xFFFF;
	s2 =	simm.s32 @!p0 $0x1C01  }
0x47: {  	[timem:s3], [sflag:s2] =	dma.local @!p0 [hbm:s0], s1  }
0x48: {  	s0 =	simm.s32 @!p0 $0x1  }
0x49: {  	_ =	swait.ge @!p0 [sflag:s0], s1  }
0x4a: {  	s1 =	ssub.s32 @!p0 $0x0, s1;
	[sflag:s0] =	ssyncset.done @!p0 $0x0  }
0x4b: {  	[sflag:s0] =	ssyncadd.s32 @!p0 s1  }
0x4c: {  	[bflag:$0x3] =	sbarrier.arrive $0xFFFF  }
0x4d: {  	_ =	shalt  }

// kernel: sparse-core-data-format-call.cloned.1.call-start
scs
called_computation_lowered:
.L_overlay_start_0:
0x0: {  	s2 =	sld [smem:$0x3FD9]  }
0x1: {  	s3 =	sld [smem:$0x3FFE];
	_ =	sdelay $0x1  }
0x2: {  	s1 =	srdreg.scid  }
0x3: {  	s0 =	sand.u32 $0x1, s1  }
0x4: {  	s18 =	sshll.u32 s0, $0xA;
	s2 =	sadd.s32 s3, s2  }
0x5: {  	s2 =	sadd.s32 s2, s18  }
0x6: {  	[smem:$0x3FC6] =	sst s2  }
0x7: {  	_ = 	snop  }
0x8: {  	(tm) =	ssettm $0x1  }
0x9: {  	s19 =	sld [smem:$0x3FFB];
	_ =	sdelay $0x3  }
0xa: {  	_ =	strace s19  }
0xb: {  	s2 =	sld [smem:$0x3FFC];
	_ =	sdelay $0x3  }
0xc: {  	_ =	strace s2  }
0xd: {  	s2 =	sld [smem:$0x3FFD];
	_ =	sdelay $0x3  }
0xe: {  	_ =	strace s2  }
0xf: {  	_ =	strace $0x8FFFFFFF  }
0x10: {  	s20 =	sld [smem:$0x3FDB];
	_ =	sdelay $0x1  }
0x11: {  	s21 =	simm.s32 $_scs_section_size  }
0x12: {  	s4 =	simm.s32 $_size__tile_overlayer_lowered;
	s5 =	simm.s32 $_tile_overlayer_lowered  }
0x13: {  	s6 =	simm.s32 $0x1BFF;
	s22 =	sshll.u32 s5, $0x1;
	s3 =	sadd.s32 s21, s20  }
0x14: {  	s23 =	simm.s32 $0x0;
	s4 =	sshll.u32 s4, $0x1;
	s5 =	sadd.s32 s22, s3  }
0x15: {  	[timem:s23], [sflag:s6] =	dma.local [hbm:s5], s4  }
0x16: {  	_ =	swait.ge [sflag:s6], s4  }
0x17: {  	s4 =	ssub.s32 $0x0, s4;
	[sflag:s6] =	ssyncset.done $0x0  }
0x18: {  	[sflag:s6] =	ssyncadd.s32 s4;
	_ =	sdelay $0x1  }
0x19: {  	s24 =	simm.s32 $0x1B8B  }
0x1a: {  	_ =	swait.ge [sflag:s24], $0x1  }
0x1b: {  	[sflag:s24] =	ssyncset.done $0x0  }
0x1c: {  	[sflag:s24] =	ssyncadd.s32 $0xFFFFFFFF  }
0x1d: {  	s4 =	sld [smem:$0x0]  }
0x1e: {  	s5 =	sand.u32 $0xFFFFFFFE, s1  }
0x1f: {  	p0 =	sne.s32 s1, s5  }
0x20: {  	s5 =	sshll.u32 @p0 s5, $0xE  }
0x21: {  	s5 =	sadd.s32 @p0 $0x11B8D, s5;
	s6 =	sshll.u32 @p0 s4, $0x11  }
0x22: {  	s5 =	sor.u32 @p0 s6, s5  }
0x23: {  	[sflag:s5] =	ssyncadd.remote.s32 @p0 $0x1;
	_ =	sdelay $0x1  }
0x24: {  	s5 =	simm.s32 @p0 $0x1B8D  }
0x25: {  	_ =	swait.eq @p0 [sflag:s5], $0x1  }
0x26: {  	[sflag:s5] =	ssyncadd.s32 @p0 $0xFFFFFFFF  }
0x27: {  	s6 =	sshll.u32 @!p0 s1, $0xE  }
0x28: {  	s6 =	sor.u32 @!p0 $0x4000, s6;
	s5 =	simm.s32 @!p0 $0x1B8D  }
0x29: {  	s4 =	sshll.u32 @!p0 s4, $0x11;
	s6 =	sadd.s32 @!p0 $0x11B8D, s6;
	_ =	swait.eq @!p0 [sflag:s5], $0x1  }
0x2a: {  	s4 =	sor.u32 @!p0 s4, s6;
	[sflag:s5] =	ssyncadd.s32 @!p0 $0xFFFFFFFF  }
0x2b: {  	s26 =	simm.s32 $0x1B8E;
	s25 =	sld [smem:$0x3FFE];
	[sflag:s4] =	ssyncadd.remote.s32 @!p0 $0x1  }
0x2c: {  	s27 =	simm.s32 $execute0_lowered;
	[smem:$0x3FD2] =	sst s26  }
0x2d: {  	s5 =	sshll.u32 s27, $0x1;
	_ =	strace $0x8000004F;
	[dreg:$0x1] =	wrdreg $0xFFFFFFFF  }
0x2e: {  	s28 =	simm.s32 $_size_execute0_lowered;
	s3 =	sadd.s32 s3, s5;
	[dreg:$0x0] =	wrdreg $0x0  }
0x2f: {  	s5 =	sshll.u32 s28, $0x1;
	[dreg:$0x2] =	wrdreg s3  }
0x30: {  	[dreg:$0x3] =	wrdreg s5  }
0x31: {  	[dreg:$0x4] =	wrdreg $0xC0  }
0x32: {  	_ =	task [dreg:s23], $0x5FFFF  }
0x33: {  	[dreg:$0x1] =	wrdreg $0xFFFFFFFF  }
0x34: {  	[dreg:$0x0] =	wrdreg $0x60  }
0x35: {  	[dreg:$0x2] =	wrdreg s25  }
0x36: {  	[dreg:$0x3] =	wrdreg $0xA  }
0x37: {  	_ =	task.clear_ibuf [dreg:s23], $0x4FFFF;
	_ =	strace $0x9000004F  }
0x38: {  	s29 =	simm.s32 $0xA;
	_ =	strace $0x80000051  }
0x39: {  	_ =	swait.ge [sflag:s29], $0x1  }
0x3a: {  	[sflag:s29] =	ssyncadd.s32 $0xFFFFFFFF  }
0x3b: {  	_ =	strace $0x90000051  }
0x3c: {  	_ =	sfence  }
0x3d: {  	s30 =	sld [smem:$0x0];
	_ =	sdelay $0x2  }
0x3e: {  	s31 =	sshll.u32 s1, $0xD;
	s1 =	sshrl.u32 s1, $0x2  }
0x3f: {  	s4 =	sand.u32 $0x4000, s31;
	s1 =	sadd.s32 s1, s30  }
0x40: {  	s0 =	sor.u32 s4, s0;
	s1 =	sshll.u32 s1, $0x11  }
0x41: {  	s0 =	sor.u32 s1, s0  }
0x42: {  	s0 =	sadd.s32 $0x8F2B, s0  }
0x43: {  	[sflag:s0] =	ssyncadd.remote.s32 $0x1  }
0x44: {  	_ =	sfence.sel $0xFFFF  }
0x45: {  	[dreg:$0x0] =	wrdreg $0xFFFFFFFF;
	(pc) =	sbr.abs _section_cstart, $3  }
0x46: {  	[dreg:$0x1] =	wrdreg $0xFFFFFFFF  }
0x47: {  	_ =	task.clear_ibuf [dreg:s23], $0x2FFFF;
	_ =	strace $0x9FFFFFFF  }
0x48: {  	(tm) =	ssettm $0x7FFFFFFF  }
0x49: {  	_ =	shalt  }
tec
execute0_lowered:
.L_overlay_start_1:
0x0: {  	(tag) =	ssettag $0x1  }
0x1: {  	s0 =	srdreg.scid  }
0x2: {  	s1 =	sshll.u32 s0, $0x4  }
0x3: {  	s0 =	stileid.u32;
	s1 =	sand.u32 $0x10, s1  }
0x4: {  	s1 =	sor.u32 s0, s1  }
0x5: {  	s6 =	rddreg [dreg:$0x0];
	s7 =	simm.s32 $0x2;
	s2 =	sshll.u32 s1, $0x7  }
0x6: {  	s12 =	simm.s32 $0x0;
	s8 =	simm.s32 $0x10000;
	s1 =	ssub.s32 $0x2000, s2  }
0x7: {  	s13 =	simm.s32 $0x0;
	s9 =	simm.s32 $0x0;
	s3 =	sand.u32 $0xF80, s1  }
0x8: {  	s11 =	simm.s32 $0x0;
	p0 =	sne.s32 s3, $0x0;
	s3 =	simm.s32 $0x1  }
.Ltmp0:
0x9: {  	s4 =	sshrl.u32 s1, $0xC;
	s3 =	simm.s32 @!p0 $0x0;
	(pc) =	sbr.rel .LBB1_1-.Ltmp0, $4  }
0xa: {  	s5 =	sadd.s32 $0xA3A600, s6;
	s1 =	rddreg [dreg:$0x1];
	s4 =	sadd.s32 s3, s4  }
0xb: {  	_ =	strace $0x80000050;
	s3 =	simm.s32 $0x1;
	s4 =	smul.u32 $0x32, s4  }
0xc: {  	s6 =	sadd.s32 $0x113A600, s6;
	s10 =	smov.u32 s2;
	[sflag:s3] =	ssyncpa.u1 $0x0  }
0xd: {  	p0 =	por $0x0, $0x0;
	[sflag:s7] =	ssyncpa.u1 $0x0;
	s7 =	sor.u32 $0x1, s4  }
.LBB1_4:
0xe: {  	s16 =	sshll.u32 s13, $0x3;
	s17 =	sand.u32 $0x78, s13  }
0xf: {  	s30 =	sand.u32 $0xFC00, s13;
	s12 =	sshll.u32 s12, $0x10;
	s16 =	sand.u32 $0x1C00, s16  }
0x10: {  	[tilespmem:s15+$0x810 ss:$0x81] =	vst.msk $0xffff, v2;
	s31 =	sand.u32 $0x7, s13;
	s16 =	sor.u32 s17, s16;
	s17 =	sadd.s32 s6, s30  }
0x11: {  	[tilespmem:s15+$0x1020 ss:$0x81] =	vst.msk $0xffff, v0;
	s13 =	sshll.u32 s31, $0x12;
	s12 =	sadd.s32 s12, s17;
	s16 =	sshrl.u32 s16, $0x3  }
0x12: {  	[tilespmem:s15+$0x0 ss:$0x81] =	vst.msk $0xffff, v1;
	s13 =	sor.u32 $0x400, s13;
	s12 =	sadd.s32 s16, s12  }
0x13: {  	[hbm4b:s12+s13] =	stream.strided.scatter [tilespmem:s14], [sflag:$0x2], $0x2000, s8, s13, $0x20;
	[tilespmem:$0x8080] =	vst v63  }
.LBB1_5:
0x14: {  	s14 =	sadd.s32 $0x1, s9  }
0x15: {  	s12 =	sadd.s32 $0x1000, s10;
	s16 =	smov.u32 s10;
	p2 =	sgt.s32 s14, $0x31  }
0x16: {  	s16 =	smov.u32 @p2 s12  }
0x17: {  	s14 =	simm.s32 @p2 $0x0;
	p2 =	sgt.s32 s16, $0x1FFF  }
0x18: {  	s16 =	smov.u32 @p2 s2;
	p2 =	sne.s32 s11, s7  }
.Ltmp1:
0x19: {  	p1 =	slt.u32 s11, $0x2;
	(pc) =	sbr.rel @!p2 .LBB1_6-.Ltmp1, $4  }
0x1a: {  	s15 =	simm.s32 @!p1 $0x2  }
0x1b: {  	s13 =	smov.u32 s10;
	p0 =	por !p0, !p0;
	_ =	swait.ge @!p1 [sflag:s15], $0x2000  }
0x1c: {  	s12 =	smov.u32 s9;
	[sflag:s15] =	ssyncset.done @!p1 $0x0;
	s9 =	smov.u32 s14  }
0x1d: {  	s11 =	sadd.s32 $0x1, s11;
	[sflag:s15] =	ssyncadd.s32 @!p1 $0xFFFFE000;
	s10 =	smov.u32 s16  }
.LBB1_1:
0x1e: {  	p1 =	sge.u32 s11, s4  }
0x1f: {  	s14 =	sand.u32 @!p1 $0x1FFFFFF, s9  }
0x20: {  	s15 =	smulhi.u32 @!p1 $0x4924925, s14;
	_ =	sdelay $0x1  }
0x21: {  	s15 =	smul.u32 @!p1 $0x38, s15  }
0x22: {  	s16 =	sxor.u32 @!p1 $0xFFFFFFFF, s11;
	s17 =	smul.u32 @!p1 $0x380, s10  }
0x23: {  	s31 =	sadd.s32 $0xFFFFFFFF, s11;
	s16 =	sshll.u32 @!p1 s16, $0xD;
	s14 =	ssub.s32 @!p1 s14, s15  }
0x24: {  	s15 =	sand.u32 @!p1 $0x2000, s16;
	s16 =	sadd.s32 @!p1 s5, s17;
	s14 =	sshll.u32 @!p1 s14, $0x4  }
0x25: {  	s17 =	simm.s32 @!p1 $0x1C00;
	s14 =	sadd.s32 @!p1 s14, s16;
	s16 =	simm.s32 @!p1 $0x40  }
0x26: {  	[tilespmem:s15], [sflag:$0x1] =	stream.strided.gather @!p1 [hbm4b:s14+s16], $0x2000, s17, s16, $0x38;
	[tilespmem:$0x8080] =	vst v63  }
0x27: {  	p1 =	sge.u32 s31, s4  }
.Ltmp2:
0x28: {  	_ = 	snop;
	(pc) =	sbr.rel @p1 .LBB1_5-.Ltmp2, $1  }
0x29: {  	_ =	sdelay $0x3  }
0x2a: {  	s14 =	simm.s32 $0x1  }
0x2b: {  	_ =	swait.ge [sflag:s3], $0x2000;
	s14 =	simm.s32 @!p0 $0x0  }
0x2c: {  	[sflag:s3] =	ssyncset.done $0x0;
	s15 =	sshll.u32 s14, $0xD  }
0x2d: {  	[sflag:s3] =	ssyncadd.s32 $0xFFFFE000;
	s18 =	sor.u32 $0x20, s15  }
0x2e: {  	s14 =	smul.u32 $0x8100, s14;
	v3 =	vld [tilespmem:s18+$0x10]  }
0x2f: {  	s30 =	sand.u32 $0x1, s11;
	v2 =	vld [tilespmem:s18+$0xFFFFFFF0]  }
0x30: {  	s15 =	smul.u32 $0x8100, s30;
	s14 =	sshrl.u32 s14, $0x2;
	v0 =	vld [tilespmem:s18+$0x0]  }
0x31: {  	v1 =	vld [tilespmem:s18+$0xFFFFFFE0];
	s16 =	sor.u32 $0x4000, s14  }
0x32: {  	s31 =	sshrl.u32 s15, $0x2;
	s15 =	sadd.s32 $0x0, s16  }
0x33: {  	s17 =	simm.s32 $0x4;
	s18 =	sadd.s32 $0x40, s18;
	s14 =	sor.u32 $0x4000, s31;
	[tilespmem:s15+$0x1830 ss:$0x81] =	vst.msk $0xffff, v3  }
.LBB1_3:
0x34: {  	v3 =	vld [tilespmem:s18+$0x10];
	p1 =	sne.s32 s17, $0x1FC;
	[tilespmem:s15+$0x810 ss:$0x81] =	vst.msk $0xffff, v2;
	s19 =	smov.u32 s17;
	s17 =	sadd.s32 $0x4, s17  }
.Ltmp3:
0x35: {  	v2 =	vld [tilespmem:s18+$0xFFFFFFF0];
	[tilespmem:s15+$0x1020 ss:$0x81] =	vst.msk $0xffff, v0;
	(pc) =	sbr.rel @p1 .LBB1_3-.Ltmp3, $4  }
0x36: {  	v0 =	vld [tilespmem:s18+$0x0];
	[tilespmem:s15+$0x0 ss:$0x81] =	vst.msk $0xffff, v1  }
0x37: {  	s15 =	sshra.s32 s19, $0x2;
	v1 =	vld [tilespmem:s18+$0xFFFFFFE0]  }
0x38: {  	s15 =	sadd.s32 s15, s16  }
0x39: {  	s18 =	sadd.s32 $0x40, s18;
	[tilespmem:s15+$0x1830 ss:$0x81] =	vst.msk $0xffff, v3  }
.Ltmp4:
0x3a: {  	_ = 	snop;
	(pc) =	sbr.rel .LBB1_4-.Ltmp4, $1  }
0x3b: {  	_ =	sdelay $0x3  }
.LBB1_6:
0x3c: {  	_ =	sfence.sel $0x180000  }
0x3d: {  	s2 =	simm.s32 $0x1;
	[bflag:$0x0] =	sbarrier.arrive $0xFFFF  }
0x3e: {  	s31 =	simm.s32 $0x2;
	[sflag:s2] =	ssyncpa.u1 $0x1  }
0x3f: {  	[sflag:s31] =	ssyncpa.u1 $0x1  }
0x40: {  	p0 =	sne.s32 s0, $0x0;
	_ =	strace $0x90000050  }
0x41: {  	s0 =	sadd.s32 @!p0 $0x100000, s1;
	[bflag:$0x2] =	sbarrier.arrive $0xFFFF  }
0x42: {  	[sflag:s0] =	ssyncadd.tile.s32 @!p0 $0x1;
	_ =	shalt  }
.Lfunc_end1:
_tile_overlayer_lowered:
.L_overlay_start_2:
0x43: {  	(tag) =	ssettag $0x2  }
0x44: {  	s0 =	rddreg [dreg:$0x0];
	s2 =	stileid.u32  }
0x45: {  	s1 =	rddreg [dreg:$0x1];
	p0 =	sne.s32 s2, $0x0  }
0x46: {  	s3 =	rddreg [dreg:$0x2];
	[bflag:$0x3] =	sbarrier.arrive $0xFFFF;
	s2 =	simm.s32 @!p0 $0x1C01  }
0x47: {  	[timem:s3], [sflag:s2] =	dma.local @!p0 [hbm:s0], s1  }
0x48: {  	s0 =	simm.s32 @!p0 $0x1  }
0x49: {  	_ =	swait.ge @!p0 [sflag:s0], s1  }
0x4a: {  	s1 =	ssub.s32 @!p0 $0x0, s1;
	[sflag:s0] =	ssyncset.done @!p0 $0x0  }
0x4b: {  	[sflag:s0] =	ssyncadd.s32 @!p0 s1  }
0x4c: {  	[bflag:$0x3] =	sbarrier.arrive $0xFFFF  }
0x4d: {  	_ =	shalt  }

</sc_bundles>
